<compile_context>
chip_gen: v7x
topology: tpu7x:2x2x1
jax: 0.10.2.dev20260603
libtpu: 0.0.44.dev20260713+nightly
codegen_flags: <defaults>
</compile_context>

<pallas_src>
import jax
import jax.numpy as jnp
from jax import lax
from jax.experimental import pallas as pl
from jax.experimental.pallas import tpu as pltpu
from jax.experimental.pallas import tpu_sc as plsc

_N_ROWS = 100000
_N_CLS = 64
_N_ATT = 10000

_NC = 2
_NS = 16
_NW = _NC * _NS
_PER_W = 320
_GCHUNK = 80
_NCHUNK = _PER_W // _GCHUNK
_GROUPS = _PER_W // 16


def _margin_body(pred_hbm, labels_hbm, idx_hbm, out_hbm,
                 idx_v, rows_v, labs_v, shared, sums_v, res_v, sem):
    cid = lax.axis_index("c")
    sid = lax.axis_index("s")
    wid = cid * _NS + sid
    base = wid * _PER_W

    for k in range(_NCHUNK):
        off = jnp.minimum(base + k * _GCHUNK, _N_ATT - _GCHUNK)
        pltpu.sync_copy(idx_hbm.at[pl.ds(off, _GCHUNK)], idx_v.at[k])

    copies = []
    for k in range(_NCHUNK):
        copies.append(pltpu.async_copy(
            pred_hbm.at[idx_v.at[k]],
            rows_v.at[pl.ds(k * _GCHUNK, _GCHUNK)], sem))
        copies.append(pltpu.async_copy(
            labels_hbm.at[idx_v.at[k]],
            labs_v.at[pl.ds(k * _GCHUNK, _GCHUNK)], sem))
    for c in copies:
        c.wait()

    iota = lax.iota(jnp.int32, 16)
    zero = jnp.zeros((16,), jnp.float32)
    zero_i = jnp.zeros((16,), jnp.int32)
    neg_inf = jnp.full((16,), -jnp.inf, jnp.float32)

    def group(g, acc):
        row_ids = g * 16 + iota
        lab = labs_v[pl.ds(g * 16, 16)]

        def cls(j, carry):
            s, nt, et = carry
            jc = j + iota
            col = jnp.where(jc >= _N_CLS, jc - _N_CLS, jc)
            e = jnp.exp(plsc.load_gather(rows_v, [row_ids, col]))
            is_t = lab == col
            return (s + e,
                    jnp.maximum(nt, jnp.where(is_t, neg_inf, e)),
                    et + jnp.where(is_t, e, zero))

        s, nt, et = lax.fori_loop(0, _N_CLS, cls, (zero, neg_inf, zero),
                                  unroll=8)
        margin = (nt - et) / s
        pos = base + g * 16 + iota
        return acc + jnp.where(pos < _N_ATT, margin, zero)

    acc = lax.fori_loop(0, _GROUPS, group, zero)

    res_v[...] = acc
    pltpu.sync_copy(res_v, shared.at[sid])
    plsc.subcore_barrier()

    @pl.when(sid == 0)
    def _():
        pltpu.sync_copy(shared, sums_v)
        tot = sums_v[0]
        for i in range(1, _NS):
            tot = tot + sums_v[i]
        total = jnp.sum(tot) * jnp.float32(1.0 / _N_ATT)
        res_v[...] = zero + total
        pltpu.sync_copy(res_v, out_hbm.at[cid])


_margin_sc = pl.kernel(
        _margin_body,
        out_type=jax.ShapeDtypeStruct((_NC, 16), jnp.float32),
        mesh=plsc.VectorSubcoreMesh(core_axis_name="c", subcore_axis_name="s",
                                    num_cores=_NC, num_subcores=_NS),
        scratch_types=[
            pltpu.VMEM((_NCHUNK, _GCHUNK), jnp.int32),
            pltpu.VMEM((_PER_W, _N_CLS), jnp.float32),
            pltpu.VMEM((_PER_W,), jnp.int32),
            pltpu.VMEM_SHARED((_NS, 16), jnp.float32),
            pltpu.VMEM((_NS, 16), jnp.float32),
            pltpu.VMEM((16,), jnp.float32),
            pltpu.SemaphoreType.DMA,
        ],
        compiler_params=pltpu.CompilerParams(use_tc_tiling_on_sc=False,
                                             needs_layout_passes=False),
    )


@jax.jit
def kernel(prediction, labels, idx_attack):
    out = _margin_sc(prediction, labels.astype(jnp.int32),
                     idx_attack.astype(jnp.int32))
    return out[0, 0] + out[1, 0]

# --- scband reference (transcript-rebuilt; emitter-appended) ---
"""Pipeline reference for scband-prbcdattack-34918084117098 (READ-ONLY COPY).

The authoritative reference and input builder live on the scoring server;
editing this copy changes nothing except your own understanding.
"""

import jax, jax.numpy as jnp
import numpy as np

N = 100000
C = 64
N_ATTACK = 10000

def setup_inputs(seed: int = 0) -> dict:
    key = jax.random.key(seed)
    k1, k2, k3 = jax.random.split(key, 3)
    prediction = jax.random.normal(k1, (N, C), dtype=jnp.float32)
    labels = jax.random.randint(k2, (N,), 0, C)
    idx_attack = jax.random.randint(k3, (N_ATTACK,), 0, N)
    return {"prediction": prediction, "labels": labels, "idx_attack": idx_attack}

def reference(prediction, labels, idx_attack):
    # probability_margin_loss: the differentiable core objective of PRBCDAttack.
    # softmax -> gather rows under attack -> gather true-class score ->
    # mask true class with -inf -> row-wise max -> mean margin.
    logits = jax.nn.softmax(prediction, axis=-1)
    score = jnp.take(logits, idx_attack, axis=0)
    lab = jnp.take(labels, idx_attack, axis=0)
    lin = jnp.arange(score.shape[0])
    true_score = score[lin, lab]
    masked = score.at[lin, lab].set(-jnp.inf)
    best_non_target = jnp.max(masked, axis=-1)
    margin_ = best_non_target - true_score
    return jnp.mean(margin_)

if __name__ == "__main__":
    import jax
    _d = setup_inputs()
    print(jax.jit(kernel)(*tuple(_d.values())))

</pallas_src>

<mosaic_0001>
#map = affine_map<(d0, d1) -> (0, 0)>
#map1 = affine_map<(d0, d1) -> (0)>
module attributes {stable_mosaic.version = 14 : i64} {
  func.func @_margin_body(%arg0: i32, %arg1: i32, %arg2: memref<100000x64xf32, #tpu.memory_space<hbm>>, %arg3: memref<100000xi32, #tpu.memory_space<hbm>>, %arg4: memref<10000xi32, #tpu.memory_space<hbm>>, %arg5: memref<2x16xf32, #tpu.memory_space<hbm>>, %arg6: memref<4x80xi32, #tpu.memory_space<vmem>>, %arg7: memref<320x64xf32, #tpu.memory_space<vmem>>, %arg8: memref<320xi32, #tpu.memory_space<vmem>>, %arg9: memref<16x16xf32, #tpu.memory_space<vmem_shared>>, %arg10: memref<16x16xf32, #tpu.memory_space<vmem>>, %arg11: memref<16xf32, #tpu.memory_space<vmem>>, %arg12: memref<!tpu.dma_semaphore, #tpu.memory_space<semaphore_mem>>) attributes {dimension_semantics = [#tpu.dimension_semantics<core_parallel>, #tpu.dimension_semantics<subcore_parallel>], iteration_bounds = array<i64: 2, 16>, scalar_prefetch = 0 : i64, scratch_operands = 7 : i64, tpu.core_type = #tpu.core_type<sc_vector_subcore>, window_params = [{transform_indices = #map}, {transform_indices = #map1}, {transform_indices = #map1}, {transform_indices = #map}]} {
    %mul3A = arith.constant 16 : i32
    %mul3A_0 = arith.muli %arg0, %mul3A : i32
    %add3A = arith.addi %mul3A_0, %arg1 : i32
    %mul3A_1 = arith.constant 320 : i32
    %mul3A_2 = arith.muli %add3A, %mul3A_1 : i32
    %add3A_3 = arith.constant 0 : i32
    %add3A_4 = arith.addi %mul3A_2, %add3A_3 : i32
    %min3A = arith.constant 9920 : i32
    %min3A_5 = arith.minsi %add3A_4, %min3A : i32
    %run_scoped3A = arith.constant 0 : i32
    "tpu.region"() ({
      %run_scoped3A_176 = tpu.sem_alloc : memref<!tpu.dma_semaphore, #tpu.memory_space<semaphore_mem>>
      %dma_start3A_177 = arith.constant 0 : i32
      %dma_start3A_178 = tpu.memref_slice %arg6[%run_scoped3A, %dma_start3A_177] : memref<4x80xi32, #tpu.memory_space<vmem>> -> memref<1x80xi32, #tpu.memory_space<vmem>>
      %dma_start3A_179 = tpu.memref_squeeze %dma_start3A_178 : memref<1x80xi32, #tpu.memory_space<vmem>> -> memref<80xi32, #tpu.memory_space<vmem>>
      %dma_start3A_180 = tpu.memref_slice %arg4[%min3A_5] : memref<10000xi32, #tpu.memory_space<hbm>> -> memref<80xi32, #tpu.memory_space<hbm>>
      %dma_start3A_181 = arith.constant 0 : i32
      %dma_start3A_182 = tpu.memref_slice %arg6[%run_scoped3A, %dma_start3A_181] : memref<4x80xi32, #tpu.memory_space<vmem>> -> memref<1x80xi32, #tpu.memory_space<vmem>>
      %dma_start3A_183 = tpu.memref_squeeze %dma_start3A_182 : memref<1x80xi32, #tpu.memory_space<vmem>> -> memref<80xi32, #tpu.memory_space<vmem>>
      %dma_start3A_184 = tpu.memref_slice %arg4[%min3A_5] : memref<10000xi32, #tpu.memory_space<hbm>> -> memref<80xi32, #tpu.memory_space<hbm>>
      tpu.enqueue_dma source(%dma_start3A_184 : memref<80xi32, #tpu.memory_space<hbm>>) target(%dma_start3A_183 : memref<80xi32, #tpu.memory_space<vmem>>) target_semaphore(%run_scoped3A_176 : memref<!tpu.dma_semaphore, #tpu.memory_space<semaphore_mem>>)
      %dma_wait3A_185 = arith.constant 0 : i32
      %dma_wait3A_186 = tpu.memref_slice %arg6[%run_scoped3A, %dma_wait3A_185] : memref<4x80xi32, #tpu.memory_space<vmem>> -> memref<1x80xi32, #tpu.memory_space<vmem>>
      %dma_wait3A_187 = tpu.memref_squeeze %dma_wait3A_186 : memref<1x80xi32, #tpu.memory_space<vmem>> -> memref<80xi32, #tpu.memory_space<vmem>>
      %dma_wait3A_188 = tpu.memref_slice %arg4[%min3A_5] : memref<10000xi32, #tpu.memory_space<hbm>> -> memref<80xi32, #tpu.memory_space<hbm>>
      %dma_wait3A_189 = arith.constant 0 : i32
      %dma_wait3A_190 = tpu.memref_slice %arg6[%run_scoped3A, %dma_wait3A_189] : memref<4x80xi32, #tpu.memory_space<vmem>> -> memref<1x80xi32, #tpu.memory_space<vmem>>
      %dma_wait3A_191 = tpu.memref_squeeze %dma_wait3A_190 : memref<1x80xi32, #tpu.memory_space<vmem>> -> memref<80xi32, #tpu.memory_space<vmem>>
      %dma_wait3A_192 = tpu.memref_slice %arg4[%min3A_5] : memref<10000xi32, #tpu.memory_space<hbm>> -> memref<80xi32, #tpu.memory_space<hbm>>
      tpu.wait_dma2 semaphore(%run_scoped3A_176 : memref<!tpu.dma_semaphore, #tpu.memory_space<semaphore_mem>>) src(%dma_wait3A_192 : memref<80xi32, #tpu.memory_space<hbm>>) dst(%dma_wait3A_191 : memref<80xi32, #tpu.memory_space<vmem>>)
      tpu.yield
    }) : () -> ()
    %add3A_6 = arith.constant 80 : i32
    %add3A_7 = arith.addi %mul3A_2, %add3A_6 : i32
    %min3A_8 = arith.constant 9920 : i32
    %min3A_9 = arith.minsi %add3A_7, %min3A_8 : i32
    %run_scoped3A_10 = arith.constant 1 : i32
    "tpu.region"() ({
      %run_scoped3A_176 = tpu.sem_alloc : memref<!tpu.dma_semaphore, #tpu.memory_space<semaphore_mem>>
      %dma_start3A_177 = arith.constant 0 : i32
      %dma_start3A_178 = tpu.memref_slice %arg6[%run_scoped3A_10, %dma_start3A_177] : memref<4x80xi32, #tpu.memory_space<vmem>> -> memref<1x80xi32, #tpu.memory_space<vmem>>
      %dma_start3A_179 = tpu.memref_squeeze %dma_start3A_178 : memref<1x80xi32, #tpu.memory_space<vmem>> -> memref<80xi32, #tpu.memory_space<vmem>>
      %dma_start3A_180 = tpu.memref_slice %arg4[%min3A_9] : memref<10000xi32, #tpu.memory_space<hbm>> -> memref<80xi32, #tpu.memory_space<hbm>>
      %dma_start3A_181 = arith.constant 0 : i32
      %dma_start3A_182 = tpu.memref_slice %arg6[%run_scoped3A_10, %dma_start3A_181] : memref<4x80xi32, #tpu.memory_space<vmem>> -> memref<1x80xi32, #tpu.memory_space<vmem>>
      %dma_start3A_183 = tpu.memref_squeeze %dma_start3A_182 : memref<1x80xi32, #tpu.memory_space<vmem>> -> memref<80xi32, #tpu.memory_space<vmem>>
      %dma_start3A_184 = tpu.memref_slice %arg4[%min3A_9] : memref<10000xi32, #tpu.memory_space<hbm>> -> memref<80xi32, #tpu.memory_space<hbm>>
      tpu.enqueue_dma source(%dma_start3A_184 : memref<80xi32, #tpu.memory_space<hbm>>) target(%dma_start3A_183 : memref<80xi32, #tpu.memory_space<vmem>>) target_semaphore(%run_scoped3A_176 : memref<!tpu.dma_semaphore, #tpu.memory_space<semaphore_mem>>)
      %dma_wait3A_185 = arith.constant 0 : i32
      %dma_wait3A_186 = tpu.memref_slice %arg6[%run_scoped3A_10, %dma_wait3A_185] : memref<4x80xi32, #tpu.memory_space<vmem>> -> memref<1x80xi32, #tpu.memory_space<vmem>>
      %dma_wait3A_187 = tpu.memref_squeeze %dma_wait3A_186 : memref<1x80xi32, #tpu.memory_space<vmem>> -> memref<80xi32, #tpu.memory_space<vmem>>
      %dma_wait3A_188 = tpu.memref_slice %arg4[%min3A_9] : memref<10000xi32, #tpu.memory_space<hbm>> -> memref<80xi32, #tpu.memory_space<hbm>>
      %dma_wait3A_189 = arith.constant 0 : i32
      %dma_wait3A_190 = tpu.memref_slice %arg6[%run_scoped3A_10, %dma_wait3A_189] : memref<4x80xi32, #tpu.memory_space<vmem>> -> memref<1x80xi32, #tpu.memory_space<vmem>>
      %dma_wait3A_191 = tpu.memref_squeeze %dma_wait3A_190 : memref<1x80xi32, #tpu.memory_space<vmem>> -> memref<80xi32, #tpu.memory_space<vmem>>
      %dma_wait3A_192 = tpu.memref_slice %arg4[%min3A_9] : memref<10000xi32, #tpu.memory_space<hbm>> -> memref<80xi32, #tpu.memory_space<hbm>>
      tpu.wait_dma2 semaphore(%run_scoped3A_176 : memref<!tpu.dma_semaphore, #tpu.memory_space<semaphore_mem>>) src(%dma_wait3A_192 : memref<80xi32, #tpu.memory_space<hbm>>) dst(%dma_wait3A_191 : memref<80xi32, #tpu.memory_space<vmem>>)
      tpu.yield
    }) : () -> ()
    %add3A_11 = arith.constant 160 : i32
    %add3A_12 = arith.addi %mul3A_2, %add3A_11 : i32
    %min3A_13 = arith.constant 9920 : i32
    %min3A_14 = arith.minsi %add3A_12, %min3A_13 : i32
    %run_scoped3A_15 = arith.constant 2 : i32
    "tpu.region"() ({
      %run_scoped3A_176 = tpu.sem_alloc : memref<!tpu.dma_semaphore, #tpu.memory_space<semaphore_mem>>
      %dma_start3A_177 = arith.constant 0 : i32
      %dma_start3A_178 = tpu.memref_slice %arg6[%run_scoped3A_15, %dma_start3A_177] : memref<4x80xi32, #tpu.memory_space<vmem>> -> memref<1x80xi32, #tpu.memory_space<vmem>>
      %dma_start3A_179 = tpu.memref_squeeze %dma_start3A_178 : memref<1x80xi32, #tpu.memory_space<vmem>> -> memref<80xi32, #tpu.memory_space<vmem>>
      %dma_start3A_180 = tpu.memref_slice %arg4[%min3A_14] : memref<10000xi32, #tpu.memory_space<hbm>> -> memref<80xi32, #tpu.memory_space<hbm>>
      %dma_start3A_181 = arith.constant 0 : i32
      %dma_start3A_182 = tpu.memref_slice %arg6[%run_scoped3A_15, %dma_start3A_181] : memref<4x80xi32, #tpu.memory_space<vmem>> -> memref<1x80xi32, #tpu.memory_space<vmem>>
      %dma_start3A_183 = tpu.memref_squeeze %dma_start3A_182 : memref<1x80xi32, #tpu.memory_space<vmem>> -> memref<80xi32, #tpu.memory_space<vmem>>
      %dma_start3A_184 = tpu.memref_slice %arg4[%min3A_14] : memref<10000xi32, #tpu.memory_space<hbm>> -> memref<80xi32, #tpu.memory_space<hbm>>
      tpu.enqueue_dma source(%dma_start3A_184 : memref<80xi32, #tpu.memory_space<hbm>>) target(%dma_start3A_183 : memref<80xi32, #tpu.memory_space<vmem>>) target_semaphore(%run_scoped3A_176 : memref<!tpu.dma_semaphore, #tpu.memory_space<semaphore_mem>>)
      %dma_wait3A_185 = arith.constant 0 : i32
      %dma_wait3A_186 = tpu.memref_slice %arg6[%run_scoped3A_15, %dma_wait3A_185] : memref<4x80xi32, #tpu.memory_space<vmem>> -> memref<1x80xi32, #tpu.memory_space<vmem>>
      %dma_wait3A_187 = tpu.memref_squeeze %dma_wait3A_186 : memref<1x80xi32, #tpu.memory_space<vmem>> -> memref<80xi32, #tpu.memory_space<vmem>>
      %dma_wait3A_188 = tpu.memref_slice %arg4[%min3A_14] : memref<10000xi32, #tpu.memory_space<hbm>> -> memref<80xi32, #tpu.memory_space<hbm>>
      %dma_wait3A_189 = arith.constant 0 : i32
      %dma_wait3A_190 = tpu.memref_slice %arg6[%run_scoped3A_15, %dma_wait3A_189] : memref<4x80xi32, #tpu.memory_space<vmem>> -> memref<1x80xi32, #tpu.memory_space<vmem>>
      %dma_wait3A_191 = tpu.memref_squeeze %dma_wait3A_190 : memref<1x80xi32, #tpu.memory_space<vmem>> -> memref<80xi32, #tpu.memory_space<vmem>>
      %dma_wait3A_192 = tpu.memref_slice %arg4[%min3A_14] : memref<10000xi32, #tpu.memory_space<hbm>> -> memref<80xi32, #tpu.memory_space<hbm>>
      tpu.wait_dma2 semaphore(%run_scoped3A_176 : memref<!tpu.dma_semaphore, #tpu.memory_space<semaphore_mem>>) src(%dma_wait3A_192 : memref<80xi32, #tpu.memory_space<hbm>>) dst(%dma_wait3A_191 : memref<80xi32, #tpu.memory_space<vmem>>)
      tpu.yield
    }) : () -> ()
    %add3A_16 = arith.constant 240 : i32
    %add3A_17 = arith.addi %mul3A_2, %add3A_16 : i32
    %min3A_18 = arith.constant 9920 : i32
    %min3A_19 = arith.minsi %add3A_17, %min3A_18 : i32
    %run_scoped3A_20 = arith.constant 3 : i32
    "tpu.region"() ({
      %run_scoped3A_176 = tpu.sem_alloc : memref<!tpu.dma_semaphore, #tpu.memory_space<semaphore_mem>>
      %dma_start3A_177 = arith.constant 0 : i32
      %dma_start3A_178 = tpu.memref_slice %arg6[%run_scoped3A_20, %dma_start3A_177] : memref<4x80xi32, #tpu.memory_space<vmem>> -> memref<1x80xi32, #tpu.memory_space<vmem>>
      %dma_start3A_179 = tpu.memref_squeeze %dma_start3A_178 : memref<1x80xi32, #tpu.memory_space<vmem>> -> memref<80xi32, #tpu.memory_space<vmem>>
      %dma_start3A_180 = tpu.memref_slice %arg4[%min3A_19] : memref<10000xi32, #tpu.memory_space<hbm>> -> memref<80xi32, #tpu.memory_space<hbm>>
      %dma_start3A_181 = arith.constant 0 : i32
      %dma_start3A_182 = tpu.memref_slice %arg6[%run_scoped3A_20, %dma_start3A_181] : memref<4x80xi32, #tpu.memory_space<vmem>> -> memref<1x80xi32, #tpu.memory_space<vmem>>
      %dma_start3A_183 = tpu.memref_squeeze %dma_start3A_182 : memref<1x80xi32, #tpu.memory_space<vmem>> -> memref<80xi32, #tpu.memory_space<vmem>>
      %dma_start3A_184 = tpu.memref_slice %arg4[%min3A_19] : memref<10000xi32, #tpu.memory_space<hbm>> -> memref<80xi32, #tpu.memory_space<hbm>>
      tpu.enqueue_dma source(%dma_start3A_184 : memref<80xi32, #tpu.memory_space<hbm>>) target(%dma_start3A_183 : memref<80xi32, #tpu.memory_space<vmem>>) target_semaphore(%run_scoped3A_176 : memref<!tpu.dma_semaphore, #tpu.memory_space<semaphore_mem>>)
      %dma_wait3A_185 = arith.constant 0 : i32
      %dma_wait3A_186 = tpu.memref_slice %arg6[%run_scoped3A_20, %dma_wait3A_185] : memref<4x80xi32, #tpu.memory_space<vmem>> -> memref<1x80xi32, #tpu.memory_space<vmem>>
      %dma_wait3A_187 = tpu.memref_squeeze %dma_wait3A_186 : memref<1x80xi32, #tpu.memory_space<vmem>> -> memref<80xi32, #tpu.memory_space<vmem>>
      %dma_wait3A_188 = tpu.memref_slice %arg4[%min3A_19] : memref<10000xi32, #tpu.memory_space<hbm>> -> memref<80xi32, #tpu.memory_space<hbm>>
      %dma_wait3A_189 = arith.constant 0 : i32
      %dma_wait3A_190 = tpu.memref_slice %arg6[%run_scoped3A_20, %dma_wait3A_189] : memref<4x80xi32, #tpu.memory_space<vmem>> -> memref<1x80xi32, #tpu.memory_space<vmem>>
      %dma_wait3A_191 = tpu.memref_squeeze %dma_wait3A_190 : memref<1x80xi32, #tpu.memory_space<vmem>> -> memref<80xi32, #tpu.memory_space<vmem>>
      %dma_wait3A_192 = tpu.memref_slice %arg4[%min3A_19] : memref<10000xi32, #tpu.memory_space<hbm>> -> memref<80xi32, #tpu.memory_space<hbm>>
      tpu.wait_dma2 semaphore(%run_scoped3A_176 : memref<!tpu.dma_semaphore, #tpu.memory_space<semaphore_mem>>) src(%dma_wait3A_192 : memref<80xi32, #tpu.memory_space<hbm>>) dst(%dma_wait3A_191 : memref<80xi32, #tpu.memory_space<vmem>>)
      tpu.yield
    }) : () -> ()
    %dma_start3A = arith.constant 0 : i32
    %dma_start3A_21 = arith.constant 0 : i32
    %dma_start3A_22 = arith.constant 0 : i32
    %dma_start3A_23 = tpu.memref_slice %arg7[%dma_start3A_21, %dma_start3A_22] : memref<320x64xf32, #tpu.memory_space<vmem>> -> memref<80x64xf32, #tpu.memory_space<vmem>>
    %dma_start3A_24 = arith.constant 0 : i32
    %dma_start3A_25 = tpu.memref_slice %arg6[%dma_start3A, %dma_start3A_24] : memref<4x80xi32, #tpu.memory_space<vmem>> -> memref<1x80xi32, #tpu.memory_space<vmem>>
    %dma_start3A_26 = tpu.memref_squeeze %dma_start3A_25 : memref<1x80xi32, #tpu.memory_space<vmem>> -> memref<80xi32, #tpu.memory_space<vmem>>
    %dma_start3A_27 = arith.constant 0 : i32
    %dma_start3A_28 = arith.constant 0 : i32
    %dma_start3A_29 = tpu.memref_slice %arg2[%dma_start3A_27, %dma_start3A_28] : memref<100000x64xf32, #tpu.memory_space<hbm>> -> memref<100000x64xf32, #tpu.memory_space<hbm>>
    tpu.enqueue_indirect_dma source(%dma_start3A_29 : memref<100000x64xf32, #tpu.memory_space<hbm>>) target(%dma_start3A_23 : memref<80x64xf32, #tpu.memory_space<vmem>>) offsets(%dma_start3A_26 : memref<80xi32, #tpu.memory_space<vmem>>) semaphore(%arg12 : memref<!tpu.dma_semaphore, #tpu.memory_space<semaphore_mem>>)
    %dma_start3A_30 = arith.constant 0 : i32
    %dma_start3A_31 = arith.constant 0 : i32
    %dma_start3A_32 = tpu.memref_slice %arg8[%dma_start3A_31] : memref<320xi32, #tpu.memory_space<vmem>> -> memref<80xi32, #tpu.memory_space<vmem>>
    %dma_start3A_33 = arith.constant 0 : i32
    %dma_start3A_34 = tpu.memref_slice %arg6[%dma_start3A_30, %dma_start3A_33] : memref<4x80xi32, #tpu.memory_space<vmem>> -> memref<1x80xi32, #tpu.memory_space<vmem>>
    %dma_start3A_35 = tpu.memref_squeeze %dma_start3A_34 : memref<1x80xi32, #tpu.memory_space<vmem>> -> memref<80xi32, #tpu.memory_space<vmem>>
    %dma_start3A_36 = arith.constant 0 : i32
    %dma_start3A_37 = tpu.memref_slice %arg3[%dma_start3A_36] : memref<100000xi32, #tpu.memory_space<hbm>> -> memref<100000xi32, #tpu.memory_space<hbm>>
    tpu.enqueue_indirect_dma source(%dma_start3A_37 : memref<100000xi32, #tpu.memory_space<hbm>>) target(%dma_start3A_32 : memref<80xi32, #tpu.memory_space<vmem>>) offsets(%dma_start3A_35 : memref<80xi32, #tpu.memory_space<vmem>>) semaphore(%arg12 : memref<!tpu.dma_semaphore, #tpu.memory_space<semaphore_mem>>)
    %dma_start3A_38 = arith.constant 1 : i32
    %dma_start3A_39 = arith.constant 80 : i32
    %dma_start3A_40 = arith.constant 0 : i32
    %dma_start3A_41 = tpu.memref_slice %arg7[%dma_start3A_39, %dma_start3A_40] : memref<320x64xf32, #tpu.memory_space<vmem>> -> memref<80x64xf32, #tpu.memory_space<vmem>>
    %dma_start3A_42 = arith.constant 0 : i32
    %dma_start3A_43 = tpu.memref_slice %arg6[%dma_start3A_38, %dma_start3A_42] : memref<4x80xi32, #tpu.memory_space<vmem>> -> memref<1x80xi32, #tpu.memory_space<vmem>>
    %dma_start3A_44 = tpu.memref_squeeze %dma_start3A_43 : memref<1x80xi32, #tpu.memory_space<vmem>> -> memref<80xi32, #tpu.memory_space<vmem>>
    %dma_start3A_45 = arith.constant 0 : i32
    %dma_start3A_46 = arith.constant 0 : i32
    %dma_start3A_47 = tpu.memref_slice %arg2[%dma_start3A_45, %dma_start3A_46] : memref<100000x64xf32, #tpu.memory_space<hbm>> -> memref<100000x64xf32, #tpu.memory_space<hbm>>
    tpu.enqueue_indirect_dma source(%dma_start3A_47 : memref<100000x64xf32, #tpu.memory_space<hbm>>) target(%dma_start3A_41 : memref<80x64xf32, #tpu.memory_space<vmem>>) offsets(%dma_start3A_44 : memref<80xi32, #tpu.memory_space<vmem>>) semaphore(%arg12 : memref<!tpu.dma_semaphore, #tpu.memory_space<semaphore_mem>>)
    %dma_start3A_48 = arith.constant 1 : i32
    %dma_start3A_49 = arith.constant 80 : i32
    %dma_start3A_50 = tpu.memref_slice %arg8[%dma_start3A_49] : memref<320xi32, #tpu.memory_space<vmem>> -> memref<80xi32, #tpu.memory_space<vmem>>
    %dma_start3A_51 = arith.constant 0 : i32
    %dma_start3A_52 = tpu.memref_slice %arg6[%dma_start3A_48, %dma_start3A_51] : memref<4x80xi32, #tpu.memory_space<vmem>> -> memref<1x80xi32, #tpu.memory_space<vmem>>
    %dma_start3A_53 = tpu.memref_squeeze %dma_start3A_52 : memref<1x80xi32, #tpu.memory_space<vmem>> -> memref<80xi32, #tpu.memory_space<vmem>>
    %dma_start3A_54 = arith.constant 0 : i32
    %dma_start3A_55 = tpu.memref_slice %arg3[%dma_start3A_54] : memref<100000xi32, #tpu.memory_space<hbm>> -> memref<100000xi32, #tpu.memory_space<hbm>>
    tpu.enqueue_indirect_dma source(%dma_start3A_55 : memref<100000xi32, #tpu.memory_space<hbm>>) target(%dma_start3A_50 : memref<80xi32, #tpu.memory_space<vmem>>) offsets(%dma_start3A_53 : memref<80xi32, #tpu.memory_space<vmem>>) semaphore(%arg12 : memref<!tpu.dma_semaphore, #tpu.memory_space<semaphore_mem>>)
    %dma_start3A_56 = arith.constant 2 : i32
    %dma_start3A_57 = arith.constant 160 : i32
    %dma_start3A_58 = arith.constant 0 : i32
    %dma_start3A_59 = tpu.memref_slice %arg7[%dma_start3A_57, %dma_start3A_58] : memref<320x64xf32, #tpu.memory_space<vmem>> -> memref<80x64xf32, #tpu.memory_space<vmem>>
    %dma_start3A_60 = arith.constant 0 : i32
    %dma_start3A_61 = tpu.memref_slice %arg6[%dma_start3A_56, %dma_start3A_60] : memref<4x80xi32, #tpu.memory_space<vmem>> -> memref<1x80xi32, #tpu.memory_space<vmem>>
    %dma_start3A_62 = tpu.memref_squeeze %dma_start3A_61 : memref<1x80xi32, #tpu.memory_space<vmem>> -> memref<80xi32, #tpu.memory_space<vmem>>
    %dma_start3A_63 = arith.constant 0 : i32
    %dma_start3A_64 = arith.constant 0 : i32
    %dma_start3A_65 = tpu.memref_slice %arg2[%dma_start3A_63, %dma_start3A_64] : memref<100000x64xf32, #tpu.memory_space<hbm>> -> memref<100000x64xf32, #tpu.memory_space<hbm>>
    tpu.enqueue_indirect_dma source(%dma_start3A_65 : memref<100000x64xf32, #tpu.memory_space<hbm>>) target(%dma_start3A_59 : memref<80x64xf32, #tpu.memory_space<vmem>>) offsets(%dma_start3A_62 : memref<80xi32, #tpu.memory_space<vmem>>) semaphore(%arg12 : memref<!tpu.dma_semaphore, #tpu.memory_space<semaphore_mem>>)
    %dma_start3A_66 = arith.constant 2 : i32
    %dma_start3A_67 = arith.constant 160 : i32
    %dma_start3A_68 = tpu.memref_slice %arg8[%dma_start3A_67] : memref<320xi32, #tpu.memory_space<vmem>> -> memref<80xi32, #tpu.memory_space<vmem>>
    %dma_start3A_69 = arith.constant 0 : i32
    %dma_start3A_70 = tpu.memref_slice %arg6[%dma_start3A_66, %dma_start3A_69] : memref<4x80xi32, #tpu.memory_space<vmem>> -> memref<1x80xi32, #tpu.memory_space<vmem>>
    %dma_start3A_71 = tpu.memref_squeeze %dma_start3A_70 : memref<1x80xi32, #tpu.memory_space<vmem>> -> memref<80xi32, #tpu.memory_space<vmem>>
    %dma_start3A_72 = arith.constant 0 : i32
    %dma_start3A_73 = tpu.memref_slice %arg3[%dma_start3A_72] : memref<100000xi32, #tpu.memory_space<hbm>> -> memref<100000xi32, #tpu.memory_space<hbm>>
    tpu.enqueue_indirect_dma source(%dma_start3A_73 : memref<100000xi32, #tpu.memory_space<hbm>>) target(%dma_start3A_68 : memref<80xi32, #tpu.memory_space<vmem>>) offsets(%dma_start3A_71 : memref<80xi32, #tpu.memory_space<vmem>>) semaphore(%arg12 : memref<!tpu.dma_semaphore, #tpu.memory_space<semaphore_mem>>)
    %dma_start3A_74 = arith.constant 3 : i32
    %dma_start3A_75 = arith.constant 240 : i32
    %dma_start3A_76 = arith.constant 0 : i32
    %dma_start3A_77 = tpu.memref_slice %arg7[%dma_start3A_75, %dma_start3A_76] : memref<320x64xf32, #tpu.memory_space<vmem>> -> memref<80x64xf32, #tpu.memory_space<vmem>>
    %dma_start3A_78 = arith.constant 0 : i32
    %dma_start3A_79 = tpu.memref_slice %arg6[%dma_start3A_74, %dma_start3A_78] : memref<4x80xi32, #tpu.memory_space<vmem>> -> memref<1x80xi32, #tpu.memory_space<vmem>>
    %dma_start3A_80 = tpu.memref_squeeze %dma_start3A_79 : memref<1x80xi32, #tpu.memory_space<vmem>> -> memref<80xi32, #tpu.memory_space<vmem>>
    %dma_start3A_81 = arith.constant 0 : i32
    %dma_start3A_82 = arith.constant 0 : i32
    %dma_start3A_83 = tpu.memref_slice %arg2[%dma_start3A_81, %dma_start3A_82] : memref<100000x64xf32, #tpu.memory_space<hbm>> -> memref<100000x64xf32, #tpu.memory_space<hbm>>
    tpu.enqueue_indirect_dma source(%dma_start3A_83 : memref<100000x64xf32, #tpu.memory_space<hbm>>) target(%dma_start3A_77 : memref<80x64xf32, #tpu.memory_space<vmem>>) offsets(%dma_start3A_80 : memref<80xi32, #tpu.memory_space<vmem>>) semaphore(%arg12 : memref<!tpu.dma_semaphore, #tpu.memory_space<semaphore_mem>>)
    %dma_start3A_84 = arith.constant 3 : i32
    %dma_start3A_85 = arith.constant 240 : i32
    %dma_start3A_86 = tpu.memref_slice %arg8[%dma_start3A_85] : memref<320xi32, #tpu.memory_space<vmem>> -> memref<80xi32, #tpu.memory_space<vmem>>
    %dma_start3A_87 = arith.constant 0 : i32
    %dma_start3A_88 = tpu.memref_slice %arg6[%dma_start3A_84, %dma_start3A_87] : memref<4x80xi32, #tpu.memory_space<vmem>> -> memref<1x80xi32, #tpu.memory_space<vmem>>
    %dma_start3A_89 = tpu.memref_squeeze %dma_start3A_88 : memref<1x80xi32, #tpu.memory_space<vmem>> -> memref<80xi32, #tpu.memory_space<vmem>>
    %dma_start3A_90 = arith.constant 0 : i32
    %dma_start3A_91 = tpu.memref_slice %arg3[%dma_start3A_90] : memref<100000xi32, #tpu.memory_space<hbm>> -> memref<100000xi32, #tpu.memory_space<hbm>>
    tpu.enqueue_indirect_dma source(%dma_start3A_91 : memref<100000xi32, #tpu.memory_space<hbm>>) target(%dma_start3A_86 : memref<80xi32, #tpu.memory_space<vmem>>) offsets(%dma_start3A_89 : memref<80xi32, #tpu.memory_space<vmem>>) semaphore(%arg12 : memref<!tpu.dma_semaphore, #tpu.memory_space<semaphore_mem>>)
    %dma_wait3A = arith.constant 0 : i32
    %dma_wait3A_92 = arith.constant 0 : i32
    %dma_wait3A_93 = arith.constant 0 : i32
    %dma_wait3A_94 = tpu.memref_slice %arg7[%dma_wait3A_92, %dma_wait3A_93] : memref<320x64xf32, #tpu.memory_space<vmem>> -> memref<80x64xf32, #tpu.memory_space<vmem>>
    %dma_wait3A_95 = arith.constant 0 : i32
    %dma_wait3A_96 = tpu.memref_slice %arg6[%dma_wait3A, %dma_wait3A_95] : memref<4x80xi32, #tpu.memory_space<vmem>> -> memref<1x80xi32, #tpu.memory_space<vmem>>
    %dma_wait3A_97 = tpu.memref_squeeze %dma_wait3A_96 : memref<1x80xi32, #tpu.memory_space<vmem>> -> memref<80xi32, #tpu.memory_space<vmem>>
    %dma_wait3A_98 = arith.constant 0 : i32
    %dma_wait3A_99 = arith.constant 0 : i32
    %dma_wait3A_100 = tpu.memref_slice %arg2[%dma_wait3A_98, %dma_wait3A_99] : memref<100000x64xf32, #tpu.memory_space<hbm>> -> memref<100000x64xf32, #tpu.memory_space<hbm>>
    tpu.wait_indirect_dma semaphore(%arg12 : memref<!tpu.dma_semaphore, #tpu.memory_space<semaphore_mem>>) src(%dma_wait3A_100 : memref<100000x64xf32, #tpu.memory_space<hbm>>) dst(%dma_wait3A_94 : memref<80x64xf32, #tpu.memory_space<vmem>>)
    %dma_wait3A_101 = arith.constant 0 : i32
    %dma_wait3A_102 = arith.constant 0 : i32
    %dma_wait3A_103 = tpu.memref_slice %arg8[%dma_wait3A_102] : memref<320xi32, #tpu.memory_space<vmem>> -> memref<80xi32, #tpu.memory_space<vmem>>
    %dma_wait3A_104 = arith.constant 0 : i32
    %dma_wait3A_105 = tpu.memref_slice %arg6[%dma_wait3A_101, %dma_wait3A_104] : memref<4x80xi32, #tpu.memory_space<vmem>> -> memref<1x80xi32, #tpu.memory_space<vmem>>
    %dma_wait3A_106 = tpu.memref_squeeze %dma_wait3A_105 : memref<1x80xi32, #tpu.memory_space<vmem>> -> memref<80xi32, #tpu.memory_space<vmem>>
    %dma_wait3A_107 = arith.constant 0 : i32
    %dma_wait3A_108 = tpu.memref_slice %arg3[%dma_wait3A_107] : memref<100000xi32, #tpu.memory_space<hbm>> -> memref<100000xi32, #tpu.memory_space<hbm>>
    tpu.wait_indirect_dma semaphore(%arg12 : memref<!tpu.dma_semaphore, #tpu.memory_space<semaphore_mem>>) src(%dma_wait3A_108 : memref<100000xi32, #tpu.memory_space<hbm>>) dst(%dma_wait3A_103 : memref<80xi32, #tpu.memory_space<vmem>>)
    %dma_wait3A_109 = arith.constant 1 : i32
    %dma_wait3A_110 = arith.constant 80 : i32
    %dma_wait3A_111 = arith.constant 0 : i32
    %dma_wait3A_112 = tpu.memref_slice %arg7[%dma_wait3A_110, %dma_wait3A_111] : memref<320x64xf32, #tpu.memory_space<vmem>> -> memref<80x64xf32, #tpu.memory_space<vmem>>
    %dma_wait3A_113 = arith.constant 0 : i32
    %dma_wait3A_114 = tpu.memref_slice %arg6[%dma_wait3A_109, %dma_wait3A_113] : memref<4x80xi32, #tpu.memory_space<vmem>> -> memref<1x80xi32, #tpu.memory_space<vmem>>
    %dma_wait3A_115 = tpu.memref_squeeze %dma_wait3A_114 : memref<1x80xi32, #tpu.memory_space<vmem>> -> memref<80xi32, #tpu.memory_space<vmem>>
    %dma_wait3A_116 = arith.constant 0 : i32
    %dma_wait3A_117 = arith.constant 0 : i32
    %dma_wait3A_118 = tpu.memref_slice %arg2[%dma_wait3A_116, %dma_wait3A_117] : memref<100000x64xf32, #tpu.memory_space<hbm>> -> memref<100000x64xf32, #tpu.memory_space<hbm>>
    tpu.wait_indirect_dma semaphore(%arg12 : memref<!tpu.dma_semaphore, #tpu.memory_space<semaphore_mem>>) src(%dma_wait3A_118 : memref<100000x64xf32, #tpu.memory_space<hbm>>) dst(%dma_wait3A_112 : memref<80x64xf32, #tpu.memory_space<vmem>>)
    %dma_wait3A_119 = arith.constant 1 : i32
    %dma_wait3A_120 = arith.constant 80 : i32
    %dma_wait3A_121 = tpu.memref_slice %arg8[%dma_wait3A_120] : memref<320xi32, #tpu.memory_space<vmem>> -> memref<80xi32, #tpu.memory_space<vmem>>
    %dma_wait3A_122 = arith.constant 0 : i32
    %dma_wait3A_123 = tpu.memref_slice %arg6[%dma_wait3A_119, %dma_wait3A_122] : memref<4x80xi32, #tpu.memory_space<vmem>> -> memref<1x80xi32, #tpu.memory_space<vmem>>
    %dma_wait3A_124 = tpu.memref_squeeze %dma_wait3A_123 : memref<1x80xi32, #tpu.memory_space<vmem>> -> memref<80xi32, #tpu.memory_space<vmem>>
    %dma_wait3A_125 = arith.constant 0 : i32
    %dma_wait3A_126 = tpu.memref_slice %arg3[%dma_wait3A_125] : memref<100000xi32, #tpu.memory_space<hbm>> -> memref<100000xi32, #tpu.memory_space<hbm>>
    tpu.wait_indirect_dma semaphore(%arg12 : memref<!tpu.dma_semaphore, #tpu.memory_space<semaphore_mem>>) src(%dma_wait3A_126 : memref<100000xi32, #tpu.memory_space<hbm>>) dst(%dma_wait3A_121 : memref<80xi32, #tpu.memory_space<vmem>>)
    %dma_wait3A_127 = arith.constant 2 : i32
    %dma_wait3A_128 = arith.constant 160 : i32
    %dma_wait3A_129 = arith.constant 0 : i32
    %dma_wait3A_130 = tpu.memref_slice %arg7[%dma_wait3A_128, %dma_wait3A_129] : memref<320x64xf32, #tpu.memory_space<vmem>> -> memref<80x64xf32, #tpu.memory_space<vmem>>
    %dma_wait3A_131 = arith.constant 0 : i32
    %dma_wait3A_132 = tpu.memref_slice %arg6[%dma_wait3A_127, %dma_wait3A_131] : memref<4x80xi32, #tpu.memory_space<vmem>> -> memref<1x80xi32, #tpu.memory_space<vmem>>
    %dma_wait3A_133 = tpu.memref_squeeze %dma_wait3A_132 : memref<1x80xi32, #tpu.memory_space<vmem>> -> memref<80xi32, #tpu.memory_space<vmem>>
    %dma_wait3A_134 = arith.constant 0 : i32
    %dma_wait3A_135 = arith.constant 0 : i32
    %dma_wait3A_136 = tpu.memref_slice %arg2[%dma_wait3A_134, %dma_wait3A_135] : memref<100000x64xf32, #tpu.memory_space<hbm>> -> memref<100000x64xf32, #tpu.memory_space<hbm>>
    tpu.wait_indirect_dma semaphore(%arg12 : memref<!tpu.dma_semaphore, #tpu.memory_space<semaphore_mem>>) src(%dma_wait3A_136 : memref<100000x64xf32, #tpu.memory_space<hbm>>) dst(%dma_wait3A_130 : memref<80x64xf32, #tpu.memory_space<vmem>>)
    %dma_wait3A_137 = arith.constant 2 : i32
    %dma_wait3A_138 = arith.constant 160 : i32
    %dma_wait3A_139 = tpu.memref_slice %arg8[%dma_wait3A_138] : memref<320xi32, #tpu.memory_space<vmem>> -> memref<80xi32, #tpu.memory_space<vmem>>
    %dma_wait3A_140 = arith.constant 0 : i32
    %dma_wait3A_141 = tpu.memref_slice %arg6[%dma_wait3A_137, %dma_wait3A_140] : memref<4x80xi32, #tpu.memory_space<vmem>> -> memref<1x80xi32, #tpu.memory_space<vmem>>
    %dma_wait3A_142 = tpu.memref_squeeze %dma_wait3A_141 : memref<1x80xi32, #tpu.memory_space<vmem>> -> memref<80xi32, #tpu.memory_space<vmem>>
    %dma_wait3A_143 = arith.constant 0 : i32
    %dma_wait3A_144 = tpu.memref_slice %arg3[%dma_wait3A_143] : memref<100000xi32, #tpu.memory_space<hbm>> -> memref<100000xi32, #tpu.memory_space<hbm>>
    tpu.wait_indirect_dma semaphore(%arg12 : memref<!tpu.dma_semaphore, #tpu.memory_space<semaphore_mem>>) src(%dma_wait3A_144 : memref<100000xi32, #tpu.memory_space<hbm>>) dst(%dma_wait3A_139 : memref<80xi32, #tpu.memory_space<vmem>>)
    %dma_wait3A_145 = arith.constant 3 : i32
    %dma_wait3A_146 = arith.constant 240 : i32
    %dma_wait3A_147 = arith.constant 0 : i32
    %dma_wait3A_148 = tpu.memref_slice %arg7[%dma_wait3A_146, %dma_wait3A_147] : memref<320x64xf32, #tpu.memory_space<vmem>> -> memref<80x64xf32, #tpu.memory_space<vmem>>
    %dma_wait3A_149 = arith.constant 0 : i32
    %dma_wait3A_150 = tpu.memref_slice %arg6[%dma_wait3A_145, %dma_wait3A_149] : memref<4x80xi32, #tpu.memory_space<vmem>> -> memref<1x80xi32, #tpu.memory_space<vmem>>
    %dma_wait3A_151 = tpu.memref_squeeze %dma_wait3A_150 : memref<1x80xi32, #tpu.memory_space<vmem>> -> memref<80xi32, #tpu.memory_space<vmem>>
    %dma_wait3A_152 = arith.constant 0 : i32
    %dma_wait3A_153 = arith.constant 0 : i32
    %dma_wait3A_154 = tpu.memref_slice %arg2[%dma_wait3A_152, %dma_wait3A_153] : memref<100000x64xf32, #tpu.memory_space<hbm>> -> memref<100000x64xf32, #tpu.memory_space<hbm>>
    tpu.wait_indirect_dma semaphore(%arg12 : memref<!tpu.dma_semaphore, #tpu.memory_space<semaphore_mem>>) src(%dma_wait3A_154 : memref<100000x64xf32, #tpu.memory_space<hbm>>) dst(%dma_wait3A_148 : memref<80x64xf32, #tpu.memory_space<vmem>>)
    %dma_wait3A_155 = arith.constant 3 : i32
    %dma_wait3A_156 = arith.constant 240 : i32
    %dma_wait3A_157 = tpu.memref_slice %arg8[%dma_wait3A_156] : memref<320xi32, #tpu.memory_space<vmem>> -> memref<80xi32, #tpu.memory_space<vmem>>
    %dma_wait3A_158 = arith.constant 0 : i32
    %dma_wait3A_159 = tpu.memref_slice %arg6[%dma_wait3A_155, %dma_wait3A_158] : memref<4x80xi32, #tpu.memory_space<vmem>> -> memref<1x80xi32, #tpu.memory_space<vmem>>
    %dma_wait3A_160 = tpu.memref_squeeze %dma_wait3A_159 : memref<1x80xi32, #tpu.memory_space<vmem>> -> memref<80xi32, #tpu.memory_space<vmem>>
    %dma_wait3A_161 = arith.constant 0 : i32
    %dma_wait3A_162 = tpu.memref_slice %arg3[%dma_wait3A_161] : memref<100000xi32, #tpu.memory_space<hbm>> -> memref<100000xi32, #tpu.memory_space<hbm>>
    tpu.wait_indirect_dma semaphore(%arg12 : memref<!tpu.dma_semaphore, #tpu.memory_space<semaphore_mem>>) src(%dma_wait3A_162 : memref<100000xi32, #tpu.memory_space<hbm>>) dst(%dma_wait3A_157 : memref<80xi32, #tpu.memory_space<vmem>>)
    %iota3A = tpu.iota {dimensions = array<i32: 0>} : vector<16xi32>
    %broadcast_in_dim3A = arith.constant 0.000000e+00 : f32
    %broadcast_in_dim3A_163 = vector.broadcast %broadcast_in_dim3A : f32 to vector<16xf32>
    %broadcast_in_dim3A_164 = arith.constant 0 : i32
    %broadcast_in_dim3A_165 = vector.broadcast %broadcast_in_dim3A_164 : i32 to vector<16xi32>
    %broadcast_in_dim3A_166 = arith.constant 0xFF800000 : f32
    %broadcast_in_dim3A_167 = vector.broadcast %broadcast_in_dim3A_166 : f32 to vector<16xf32>
    %scan3A = arith.constant 0 : i32
    %scan3A_168 = arith.constant 20 : i32
    %scan3A_169 = arith.addi %scan3A, %scan3A_168 : i32
    %scan3A_170 = arith.constant 1 : i32
    %scan3A_171 = scf.for %scan3A_176 = %scan3A to %scan3A_169 step %scan3A_170 iter_args(%scan3A_177 = %broadcast_in_dim3A_163) -> (vector<16xf32>)  : i32 {
      %mul3A_178 = arith.constant 16 : i32
      %mul3A_179 = arith.muli %scan3A_176, %mul3A_178 : i32
      %add3A_180 = vector.broadcast %mul3A_179 : i32 to vector<16xi32>
      %add3A_181 = arith.addi %add3A_180, %iota3A : vector<16xi32>
      %mul3A_182 = arith.constant 16 : i32
      %mul3A_183 = arith.muli %scan3A_176, %mul3A_182 : i32
      %get3A = arith.index_cast %mul3A_183 : i32 to index
      %get3A_184 = tpu.vector_load %arg8[%get3A] {strides = array<i32>} : memref<320xi32, #tpu.memory_space<vmem>>, vector<16xi32>,
      %scan3A_185 = arith.constant 0 : i32
      %scan3A_186 = arith.constant 64 : i32
      %scan3A_187 = arith.addi %scan3A_185, %scan3A_186 : i32
      %scan3A_188 = arith.constant 8 : i32
      %scan3A_189:3 = scf.for %scan3A_199 = %scan3A_185 to %scan3A_187 step %scan3A_188 iter_args(%scan3A_200 = %broadcast_in_dim3A_163, %scan3A_201 = %broadcast_in_dim3A_167, %scan3A_202 = %broadcast_in_dim3A_163) -> (vector<16xf32>, vector<16xf32>, vector<16xf32>)  : i32 {
        %add3A_203 = vector.broadcast %scan3A_199 : i32 to vector<16xi32>
        %add3A_204 = arith.addi %add3A_203, %iota3A : vector<16xi32>
        %ge3A = arith.constant 64 : i32
        %ge3A_205 = vector.broadcast %ge3A : i32 to vector<16xi32>
        %ge3A_206 = arith.cmpi sge, %add3A_204, %ge3A_205 : vector<16xi32>
        %sub3A_207 = arith.constant 64 : i32
        %sub3A_208 = vector.broadcast %sub3A_207 : i32 to vector<16xi32>
        %sub3A_209 = arith.subi %add3A_204, %sub3A_208 : vector<16xi32>
        %select_n3A_210 = arith.select %ge3A_206, %sub3A_209, %add3A_204 : vector<16xi1>, vector<16xi32>
        %gather3A = tpu.vector_load_idx %arg7[%add3A_181, %select_n3A_210] : memref<320x64xf32, #tpu.memory_space<vmem>>[vector<16xi32>, vector<16xi32>], vector<16xf32>,
        %exp3A = math.exp %gather3A : vector<16xf32>
        %eq3A_211 = arith.cmpi eq, %get3A_184, %select_n3A_210 : vector<16xi32>
        %add3A_212 = arith.addf %scan3A_200, %exp3A : vector<16xf32>
        %select_n3A_213 = arith.select %eq3A_211, %broadcast_in_dim3A_167, %exp3A : vector<16xi1>, vector<16xf32>
        %max3A = arith.maximumf %scan3A_201, %select_n3A_213 : vector<16xf32>
        %select_n3A_214 = arith.select %eq3A_211, %exp3A, %broadcast_in_dim3A_163 : vector<16xi1>, vector<16xf32>
        %add3A_215 = arith.addf %scan3A_202, %select_n3A_214 : vector<16xf32>
        %scan3A_216 = arith.constant 1 : i32
        %scan3A_217 = arith.addi %scan3A_199, %scan3A_216 : i32
        %add3A_218 = vector.broadcast %scan3A_217 : i32 to vector<16xi32>
        %add3A_219 = arith.addi %add3A_218, %iota3A : vector<16xi32>
        %ge3A_220 = arith.constant 64 : i32
        %ge3A_221 = vector.broadcast %ge3A_220 : i32 to vector<16xi32>
        %ge3A_222 = arith.cmpi sge, %add3A_219, %ge3A_221 : vector<16xi32>
        %sub3A_223 = arith.constant 64 : i32
        %sub3A_224 = vector.broadcast %sub3A_223 : i32 to vector<16xi32>
        %sub3A_225 = arith.subi %add3A_219, %sub3A_224 : vector<16xi32>
        %select_n3A_226 = arith.select %ge3A_222, %sub3A_225, %add3A_219 : vector<16xi1>, vector<16xi32>
        %gather3A_227 = tpu.vector_load_idx %arg7[%add3A_181, %select_n3A_226] : memref<320x64xf32, #tpu.memory_space<vmem>>[vector<16xi32>, vector<16xi32>], vector<16xf32>,
        %exp3A_228 = math.exp %gather3A_227 : vector<16xf32>
        %eq3A_229 = arith.cmpi eq, %get3A_184, %select_n3A_226 : vector<16xi32>
        %add3A_230 = arith.addf %add3A_212, %exp3A_228 : vector<16xf32>
        %select_n3A_231 = arith.select %eq3A_229, %broadcast_in_dim3A_167, %exp3A_228 : vector<16xi1>, vector<16xf32>
        %max3A_232 = arith.maximumf %max3A, %select_n3A_231 : vector<16xf32>
        %select_n3A_233 = arith.select %eq3A_229, %exp3A_228, %broadcast_in_dim3A_163 : vector<16xi1>, vector<16xf32>
        %add3A_234 = arith.addf %add3A_215, %select_n3A_233 : vector<16xf32>
        %scan3A_235 = arith.constant 2 : i32
        %scan3A_236 = arith.addi %scan3A_199, %scan3A_235 : i32
        %add3A_237 = vector.broadcast %scan3A_236 : i32 to vector<16xi32>
        %add3A_238 = arith.addi %add3A_237, %iota3A : vector<16xi32>
        %ge3A_239 = arith.constant 64 : i32
        %ge3A_240 = vector.broadcast %ge3A_239 : i32 to vector<16xi32>
        %ge3A_241 = arith.cmpi sge, %add3A_238, %ge3A_240 : vector<16xi32>
        %sub3A_242 = arith.constant 64 : i32
        %sub3A_243 = vector.broadcast %sub3A_242 : i32 to vector<16xi32>
        %sub3A_244 = arith.subi %add3A_238, %sub3A_243 : vector<16xi32>
        %select_n3A_245 = arith.select %ge3A_241, %sub3A_244, %add3A_238 : vector<16xi1>, vector<16xi32>
        %gather3A_246 = tpu.vector_load_idx %arg7[%add3A_181, %select_n3A_245] : memref<320x64xf32, #tpu.memory_space<vmem>>[vector<16xi32>, vector<16xi32>], vector<16xf32>,
        %exp3A_247 = math.exp %gather3A_246 : vector<16xf32>
        %eq3A_248 = arith.cmpi eq, %get3A_184, %select_n3A_245 : vector<16xi32>
        %add3A_249 = arith.addf %add3A_230, %exp3A_247 : vector<16xf32>
        %select_n3A_250 = arith.select %eq3A_248, %broadcast_in_dim3A_167, %exp3A_247 : vector<16xi1>, vector<16xf32>
        %max3A_251 = arith.maximumf %max3A_232, %select_n3A_250 : vector<16xf32>
        %select_n3A_252 = arith.select %eq3A_248, %exp3A_247, %broadcast_in_dim3A_163 : vector<16xi1>, vector<16xf32>
        %add3A_253 = arith.addf %add3A_234, %select_n3A_252 : vector<16xf32>
        %scan3A_254 = arith.constant 3 : i32
        %scan3A_255 = arith.addi %scan3A_199, %scan3A_254 : i32
        %add3A_256 = vector.broadcast %scan3A_255 : i32 to vector<16xi32>
        %add3A_257 = arith.addi %add3A_256, %iota3A : vector<16xi32>
        %ge3A_258 = arith.constant 64 : i32
        %ge3A_259 = vector.broadcast %ge3A_258 : i32 to vector<16xi32>
        %ge3A_260 = arith.cmpi sge, %add3A_257, %ge3A_259 : vector<16xi32>
        %sub3A_261 = arith.constant 64 : i32
        %sub3A_262 = vector.broadcast %sub3A_261 : i32 to vector<16xi32>
        %sub3A_263 = arith.subi %add3A_257, %sub3A_262 : vector<16xi32>
        %select_n3A_264 = arith.select %ge3A_260, %sub3A_263, %add3A_257 : vector<16xi1>, vector<16xi32>
        %gather3A_265 = tpu.vector_load_idx %arg7[%add3A_181, %select_n3A_264] : memref<320x64xf32, #tpu.memory_space<vmem>>[vector<16xi32>, vector<16xi32>], vector<16xf32>,
        %exp3A_266 = math.exp %gather3A_265 : vector<16xf32>
        %eq3A_267 = arith.cmpi eq, %get3A_184, %select_n3A_264 : vector<16xi32>
        %add3A_268 = arith.addf %add3A_249, %exp3A_266 : vector<16xf32>
        %select_n3A_269 = arith.select %eq3A_267, %broadcast_in_dim3A_167, %exp3A_266 : vector<16xi1>, vector<16xf32>
        %max3A_270 = arith.maximumf %max3A_251, %select_n3A_269 : vector<16xf32>
        %select_n3A_271 = arith.select %eq3A_267, %exp3A_266, %broadcast_in_dim3A_163 : vector<16xi1>, vector<16xf32>
        %add3A_272 = arith.addf %add3A_253, %select_n3A_271 : vector<16xf32>
        %scan3A_273 = arith.constant 4 : i32
        %scan3A_274 = arith.addi %scan3A_199, %scan3A_273 : i32
        %add3A_275 = vector.broadcast %scan3A_274 : i32 to vector<16xi32>
        %add3A_276 = arith.addi %add3A_275, %iota3A : vector<16xi32>
        %ge3A_277 = arith.constant 64 : i32
        %ge3A_278 = vector.broadcast %ge3A_277 : i32 to vector<16xi32>
        %ge3A_279 = arith.cmpi sge, %add3A_276, %ge3A_278 : vector<16xi32>
        %sub3A_280 = arith.constant 64 : i32
        %sub3A_281 = vector.broadcast %sub3A_280 : i32 to vector<16xi32>
        %sub3A_282 = arith.subi %add3A_276, %sub3A_281 : vector<16xi32>
        %select_n3A_283 = arith.select %ge3A_279, %sub3A_282, %add3A_276 : vector<16xi1>, vector<16xi32>
        %gather3A_284 = tpu.vector_load_idx %arg7[%add3A_181, %select_n3A_283] : memref<320x64xf32, #tpu.memory_space<vmem>>[vector<16xi32>, vector<16xi32>], vector<16xf32>,
        %exp3A_285 = math.exp %gather3A_284 : vector<16xf32>
        %eq3A_286 = arith.cmpi eq, %get3A_184, %select_n3A_283 : vector<16xi32>
        %add3A_287 = arith.addf %add3A_268, %exp3A_285 : vector<16xf32>
        %select_n3A_288 = arith.select %eq3A_286, %broadcast_in_dim3A_167, %exp3A_285 : vector<16xi1>, vector<16xf32>
        %max3A_289 = arith.maximumf %max3A_270, %select_n3A_288 : vector<16xf32>
        %select_n3A_290 = arith.select %eq3A_286, %exp3A_285, %broadcast_in_dim3A_163 : vector<16xi1>, vector<16xf32>
        %add3A_291 = arith.addf %add3A_272, %select_n3A_290 : vector<16xf32>
        %scan3A_292 = arith.constant 5 : i32
        %scan3A_293 = arith.addi %scan3A_199, %scan3A_292 : i32
        %add3A_294 = vector.broadcast %scan3A_293 : i32 to vector<16xi32>
        %add3A_295 = arith.addi %add3A_294, %iota3A : vector<16xi32>
        %ge3A_296 = arith.constant 64 : i32
        %ge3A_297 = vector.broadcast %ge3A_296 : i32 to vector<16xi32>
        %ge3A_298 = arith.cmpi sge, %add3A_295, %ge3A_297 : vector<16xi32>
        %sub3A_299 = arith.constant 64 : i32
        %sub3A_300 = vector.broadcast %sub3A_299 : i32 to vector<16xi32>
        %sub3A_301 = arith.subi %add3A_295, %sub3A_300 : vector<16xi32>
        %select_n3A_302 = arith.select %ge3A_298, %sub3A_301, %add3A_295 : vector<16xi1>, vector<16xi32>
        %gather3A_303 = tpu.vector_load_idx %arg7[%add3A_181, %select_n3A_302] : memref<320x64xf32, #tpu.memory_space<vmem>>[vector<16xi32>, vector<16xi32>], vector<16xf32>,
        %exp3A_304 = math.exp %gather3A_303 : vector<16xf32>
        %eq3A_305 = arith.cmpi eq, %get3A_184, %select_n3A_302 : vector<16xi32>
        %add3A_306 = arith.addf %add3A_287, %exp3A_304 : vector<16xf32>
        %select_n3A_307 = arith.select %eq3A_305, %broadcast_in_dim3A_167, %exp3A_304 : vector<16xi1>, vector<16xf32>
        %max3A_308 = arith.maximumf %max3A_289, %select_n3A_307 : vector<16xf32>
        %select_n3A_309 = arith.select %eq3A_305, %exp3A_304, %broadcast_in_dim3A_163 : vector<16xi1>, vector<16xf32>
        %add3A_310 = arith.addf %add3A_291, %select_n3A_309 : vector<16xf32>
        %scan3A_311 = arith.constant 6 : i32
        %scan3A_312 = arith.addi %scan3A_199, %scan3A_311 : i32
        %add3A_313 = vector.broadcast %scan3A_312 : i32 to vector<16xi32>
        %add3A_314 = arith.addi %add3A_313, %iota3A : vector<16xi32>
        %ge3A_315 = arith.constant 64 : i32
        %ge3A_316 = vector.broadcast %ge3A_315 : i32 to vector<16xi32>
        %ge3A_317 = arith.cmpi sge, %add3A_314, %ge3A_316 : vector<16xi32>
        %sub3A_318 = arith.constant 64 : i32
        %sub3A_319 = vector.broadcast %sub3A_318 : i32 to vector<16xi32>
        %sub3A_320 = arith.subi %add3A_314, %sub3A_319 : vector<16xi32>
        %select_n3A_321 = arith.select %ge3A_317, %sub3A_320, %add3A_314 : vector<16xi1>, vector<16xi32>
        %gather3A_322 = tpu.vector_load_idx %arg7[%add3A_181, %select_n3A_321] : memref<320x64xf32, #tpu.memory_space<vmem>>[vector<16xi32>, vector<16xi32>], vector<16xf32>,
        %exp3A_323 = math.exp %gather3A_322 : vector<16xf32>
        %eq3A_324 = arith.cmpi eq, %get3A_184, %select_n3A_321 : vector<16xi32>
        %add3A_325 = arith.addf %add3A_306, %exp3A_323 : vector<16xf32>
        %select_n3A_326 = arith.select %eq3A_324, %broadcast_in_dim3A_167, %exp3A_323 : vector<16xi1>, vector<16xf32>
        %max3A_327 = arith.maximumf %max3A_308, %select_n3A_326 : vector<16xf32>
        %select_n3A_328 = arith.select %eq3A_324, %exp3A_323, %broadcast_in_dim3A_163 : vector<16xi1>, vector<16xf32>
        %add3A_329 = arith.addf %add3A_310, %select_n3A_328 : vector<16xf32>
        %scan3A_330 = arith.constant 7 : i32
        %scan3A_331 = arith.addi %scan3A_199, %scan3A_330 : i32
        %add3A_332 = vector.broadcast %scan3A_331 : i32 to vector<16xi32>
        %add3A_333 = arith.addi %add3A_332, %iota3A : vector<16xi32>
        %ge3A_334 = arith.constant 64 : i32
        %ge3A_335 = vector.broadcast %ge3A_334 : i32 to vector<16xi32>
        %ge3A_336 = arith.cmpi sge, %add3A_333, %ge3A_335 : vector<16xi32>
        %sub3A_337 = arith.constant 64 : i32
        %sub3A_338 = vector.broadcast %sub3A_337 : i32 to vector<16xi32>
        %sub3A_339 = arith.subi %add3A_333, %sub3A_338 : vector<16xi32>
        %select_n3A_340 = arith.select %ge3A_336, %sub3A_339, %add3A_333 : vector<16xi1>, vector<16xi32>
        %gather3A_341 = tpu.vector_load_idx %arg7[%add3A_181, %select_n3A_340] : memref<320x64xf32, #tpu.memory_space<vmem>>[vector<16xi32>, vector<16xi32>], vector<16xf32>,
        %exp3A_342 = math.exp %gather3A_341 : vector<16xf32>
        %eq3A_343 = arith.cmpi eq, %get3A_184, %select_n3A_340 : vector<16xi32>
        %add3A_344 = arith.addf %add3A_325, %exp3A_342 : vector<16xf32>
        %select_n3A_345 = arith.select %eq3A_343, %broadcast_in_dim3A_167, %exp3A_342 : vector<16xi1>, vector<16xf32>
        %max3A_346 = arith.maximumf %max3A_327, %select_n3A_345 : vector<16xf32>
        %select_n3A_347 = arith.select %eq3A_343, %exp3A_342, %broadcast_in_dim3A_163 : vector<16xi1>, vector<16xf32>
        %add3A_348 = arith.addf %add3A_329, %select_n3A_347 : vector<16xf32>
        scf.yield %add3A_344, %max3A_346, %add3A_348 : vector<16xf32>, vector<16xf32>, vector<16xf32>
      }
      %scan3A_190 = arith.constant 64 : i32
      %sub3A = arith.subf %scan3A_189#1, %scan3A_189#2 : vector<16xf32>
      %div3A = arith.divf %sub3A, %scan3A_189#0 : vector<16xf32>
      %mul3A_191 = arith.constant 16 : i32
      %mul3A_192 = arith.muli %scan3A_176, %mul3A_191 : i32
      %add3A_193 = arith.addi %mul3A_2, %mul3A_192 : i32
      %add3A_194 = vector.broadcast %add3A_193 : i32 to vector<16xi32>
      %add3A_195 = arith.addi %add3A_194, %iota3A : vector<16xi32>
      %lt3A = arith.constant 10000 : i32
      %lt3A_196 = vector.broadcast %lt3A : i32 to vector<16xi32>
      %lt3A_197 = arith.cmpi slt, %add3A_195, %lt3A_196 : vector<16xi32>
      %select_n3A = arith.select %lt3A_197, %div3A, %broadcast_in_dim3A_163 : vector<16xi1>, vector<16xf32>
      %add3A_198 = arith.addf %scan3A_177, %select_n3A : vector<16xf32>
      scf.yield %add3A_198 : vector<16xf32>
    }
    %scan3A_172 = arith.constant 20 : i32
    %swap3A = arith.constant 0 : index
    %swap3A_173 = tpu.vector_load %arg11[%swap3A] {strides = array<i32>} : memref<16xf32, #tpu.memory_space<vmem>>, vector<16xf32>,
    tpu.vector_store %arg11[%swap3A], %scan3A_171 {strides = array<i32>} : memref<16xf32, #tpu.memory_space<vmem>>, vector<16xf32>,
    "tpu.region"() ({
      %run_scoped3A_176 = tpu.sem_alloc : memref<!tpu.dma_semaphore, #tpu.memory_space<semaphore_mem>>
      %dma_start3A_177 = arith.constant 0 : i32
      %dma_start3A_178 = tpu.memref_slice %arg9[%arg1, %dma_start3A_177] : memref<16x16xf32, #tpu.memory_space<vmem_shared>> -> memref<1x16xf32, #tpu.memory_space<vmem_shared>>
      %dma_start3A_179 = tpu.memref_squeeze %dma_start3A_178 : memref<1x16xf32, #tpu.memory_space<vmem_shared>> -> memref<16xf32, #tpu.memory_space<vmem_shared>>
      %dma_start3A_180 = arith.constant 0 : i32
      %dma_start3A_181 = tpu.memref_slice %arg9[%arg1, %dma_start3A_180] : memref<16x16xf32, #tpu.memory_space<vmem_shared>> -> memref<1x16xf32, #tpu.memory_space<vmem_shared>>
      %dma_start3A_182 = tpu.memref_squeeze %dma_start3A_181 : memref<1x16xf32, #tpu.memory_space<vmem_shared>> -> memref<16xf32, #tpu.memory_space<vmem_shared>>
      tpu.enqueue_dma source(%arg11 : memref<16xf32, #tpu.memory_space<vmem>>) target(%dma_start3A_182 : memref<16xf32, #tpu.memory_space<vmem_shared>>) target_semaphore(%run_scoped3A_176 : memref<!tpu.dma_semaphore, #tpu.memory_space<semaphore_mem>>)
      %dma_wait3A_183 = arith.constant 0 : i32
      %dma_wait3A_184 = tpu.memref_slice %arg9[%arg1, %dma_wait3A_183] : memref<16x16xf32, #tpu.memory_space<vmem_shared>> -> memref<1x16xf32, #tpu.memory_space<vmem_shared>>
      %dma_wait3A_185 = tpu.memref_squeeze %dma_wait3A_184 : memref<1x16xf32, #tpu.memory_space<vmem_shared>> -> memref<16xf32, #tpu.memory_space<vmem_shared>>
      %dma_wait3A_186 = arith.constant 0 : i32
      %dma_wait3A_187 = tpu.memref_slice %arg9[%arg1, %dma_wait3A_186] : memref<16x16xf32, #tpu.memory_space<vmem_shared>> -> memref<1x16xf32, #tpu.memory_space<vmem_shared>>
      %dma_wait3A_188 = tpu.memref_squeeze %dma_wait3A_187 : memref<1x16xf32, #tpu.memory_space<vmem_shared>> -> memref<16xf32, #tpu.memory_space<vmem_shared>>
      tpu.wait_dma2 semaphore(%run_scoped3A_176 : memref<!tpu.dma_semaphore, #tpu.memory_space<semaphore_mem>>) src(%arg11 : memref<16xf32, #tpu.memory_space<vmem>>) dst(%dma_wait3A_188 : memref<16xf32, #tpu.memory_space<vmem_shared>>)
      tpu.yield
    }) : () -> ()
    %barrier3A = arith.constant 0 : index
    tpu.barrier barrier_id(%barrier3A)
    %eq3A = arith.constant 0 : i32
    %eq3A_174 = arith.cmpi eq, %arg1, %eq3A : i32
    %convert_element_type3A = arith.extui %eq3A_174 : i1 to i32
    %cond3A = arith.constant 0 : i32
    %cond3A_175 = arith.cmpi ne, %convert_element_type3A, %cond3A : i32
    scf.if %cond3A_175 {
      "tpu.region"() ({
        %run_scoped3A_263 = tpu.sem_alloc : memref<!tpu.dma_semaphore, #tpu.memory_space<semaphore_mem>>
        tpu.enqueue_dma source(%arg9 : memref<16x16xf32, #tpu.memory_space<vmem_shared>>) target(%arg10 : memref<16x16xf32, #tpu.memory_space<vmem>>) target_semaphore(%run_scoped3A_263 : memref<!tpu.dma_semaphore, #tpu.memory_space<semaphore_mem>>)
        tpu.wait_dma2 semaphore(%run_scoped3A_263 : memref<!tpu.dma_semaphore, #tpu.memory_space<semaphore_mem>>) src(%arg9 : memref<16x16xf32, #tpu.memory_space<vmem_shared>>) dst(%arg10 : memref<16x16xf32, #tpu.memory_space<vmem>>)
        tpu.yield
      }) : () -> ()
      %get3A = arith.constant 0 : i32
      %get3A_176 = arith.index_cast %get3A : i32 to index
      %get3A_177 = arith.constant 0 : index
      %get3A_178 = tpu.vector_load %arg10[%get3A_176, %get3A_177] {strides = array<i32>} : memref<16x16xf32, #tpu.memory_space<vmem>>, vector<16xf32>,
      %get3A_179 = arith.constant 1 : i32
      %get3A_180 = arith.index_cast %get3A_179 : i32 to index
      %get3A_181 = arith.constant 0 : index
      %get3A_182 = tpu.vector_load %arg10[%get3A_180, %get3A_181] {strides = array<i32>} : memref<16x16xf32, #tpu.memory_space<vmem>>, vector<16xf32>,
      %add3A_183 = arith.addf %get3A_178, %get3A_182 : vector<16xf32>
      %get3A_184 = arith.constant 2 : i32
      %get3A_185 = arith.index_cast %get3A_184 : i32 to index
      %get3A_186 = arith.constant 0 : index
      %get3A_187 = tpu.vector_load %arg10[%get3A_185, %get3A_186] {strides = array<i32>} : memref<16x16xf32, #tpu.memory_space<vmem>>, vector<16xf32>,
      %add3A_188 = arith.addf %add3A_183, %get3A_187 : vector<16xf32>
      %get3A_189 = arith.constant 3 : i32
      %get3A_190 = arith.index_cast %get3A_189 : i32 to index
      %get3A_191 = arith.constant 0 : index
      %get3A_192 = tpu.vector_load %arg10[%get3A_190, %get3A_191] {strides = array<i32>} : memref<16x16xf32, #tpu.memory_space<vmem>>, vector<16xf32>,
      %add3A_193 = arith.addf %add3A_188, %get3A_192 : vector<16xf32>
      %get3A_194 = arith.constant 4 : i32
      %get3A_195 = arith.index_cast %get3A_194 : i32 to index
      %get3A_196 = arith.constant 0 : index
      %get3A_197 = tpu.vector_load %arg10[%get3A_195, %get3A_196] {strides = array<i32>} : memref<16x16xf32, #tpu.memory_space<vmem>>, vector<16xf32>,
      %add3A_198 = arith.addf %add3A_193, %get3A_197 : vector<16xf32>
      %get3A_199 = arith.constant 5 : i32
      %get3A_200 = arith.index_cast %get3A_199 : i32 to index
      %get3A_201 = arith.constant 0 : index
      %get3A_202 = tpu.vector_load %arg10[%get3A_200, %get3A_201] {strides = array<i32>} : memref<16x16xf32, #tpu.memory_space<vmem>>, vector<16xf32>,
      %add3A_203 = arith.addf %add3A_198, %get3A_202 : vector<16xf32>
      %get3A_204 = arith.constant 6 : i32
      %get3A_205 = arith.index_cast %get3A_204 : i32 to index
      %get3A_206 = arith.constant 0 : index
      %get3A_207 = tpu.vector_load %arg10[%get3A_205, %get3A_206] {strides = array<i32>} : memref<16x16xf32, #tpu.memory_space<vmem>>, vector<16xf32>,
      %add3A_208 = arith.addf %add3A_203, %get3A_207 : vector<16xf32>
      %get3A_209 = arith.constant 7 : i32
      %get3A_210 = arith.index_cast %get3A_209 : i32 to index
      %get3A_211 = arith.constant 0 : index
      %get3A_212 = tpu.vector_load %arg10[%get3A_210, %get3A_211] {strides = array<i32>} : memref<16x16xf32, #tpu.memory_space<vmem>>, vector<16xf32>,
      %add3A_213 = arith.addf %add3A_208, %get3A_212 : vector<16xf32>
      %get3A_214 = arith.constant 8 : i32
      %get3A_215 = arith.index_cast %get3A_214 : i32 to index
      %get3A_216 = arith.constant 0 : index
      %get3A_217 = tpu.vector_load %arg10[%get3A_215, %get3A_216] {strides = array<i32>} : memref<16x16xf32, #tpu.memory_space<vmem>>, vector<16xf32>,
      %add3A_218 = arith.addf %add3A_213, %get3A_217 : vector<16xf32>
      %get3A_219 = arith.constant 9 : i32
      %get3A_220 = arith.index_cast %get3A_219 : i32 to index
      %get3A_221 = arith.constant 0 : index
      %get3A_222 = tpu.vector_load %arg10[%get3A_220, %get3A_221] {strides = array<i32>} : memref<16x16xf32, #tpu.memory_space<vmem>>, vector<16xf32>,
      %add3A_223 = arith.addf %add3A_218, %get3A_222 : vector<16xf32>
      %get3A_224 = arith.constant 10 : i32
      %get3A_225 = arith.index_cast %get3A_224 : i32 to index
      %get3A_226 = arith.constant 0 : index
      %get3A_227 = tpu.vector_load %arg10[%get3A_225, %get3A_226] {strides = array<i32>} : memref<16x16xf32, #tpu.memory_space<vmem>>, vector<16xf32>,
      %add3A_228 = arith.addf %add3A_223, %get3A_227 : vector<16xf32>
      %get3A_229 = arith.constant 11 : i32
      %get3A_230 = arith.index_cast %get3A_229 : i32 to index
      %get3A_231 = arith.constant 0 : index
      %get3A_232 = tpu.vector_load %arg10[%get3A_230, %get3A_231] {strides = array<i32>} : memref<16x16xf32, #tpu.memory_space<vmem>>, vector<16xf32>,
      %add3A_233 = arith.addf %add3A_228, %get3A_232 : vector<16xf32>
      %get3A_234 = arith.constant 12 : i32
      %get3A_235 = arith.index_cast %get3A_234 : i32 to index
      %get3A_236 = arith.constant 0 : index
      %get3A_237 = tpu.vector_load %arg10[%get3A_235, %get3A_236] {strides = array<i32>} : memref<16x16xf32, #tpu.memory_space<vmem>>, vector<16xf32>,
      %add3A_238 = arith.addf %add3A_233, %get3A_237 : vector<16xf32>
      %get3A_239 = arith.constant 13 : i32
      %get3A_240 = arith.index_cast %get3A_239 : i32 to index
      %get3A_241 = arith.constant 0 : index
      %get3A_242 = tpu.vector_load %arg10[%get3A_240, %get3A_241] {strides = array<i32>} : memref<16x16xf32, #tpu.memory_space<vmem>>, vector<16xf32>,
      %add3A_243 = arith.addf %add3A_238, %get3A_242 : vector<16xf32>
      %get3A_244 = arith.constant 14 : i32
      %get3A_245 = arith.index_cast %get3A_244 : i32 to index
      %get3A_246 = arith.constant 0 : index
      %get3A_247 = tpu.vector_load %arg10[%get3A_245, %get3A_246] {strides = array<i32>} : memref<16x16xf32, #tpu.memory_space<vmem>>, vector<16xf32>,
      %add3A_248 = arith.addf %add3A_243, %get3A_247 : vector<16xf32>
      %get3A_249 = arith.constant 15 : i32
      %get3A_250 = arith.index_cast %get3A_249 : i32 to index
      %get3A_251 = arith.constant 0 : index
      %get3A_252 = tpu.vector_load %arg10[%get3A_250, %get3A_251] {strides = array<i32>} : memref<16x16xf32, #tpu.memory_space<vmem>>, vector<16xf32>,
      %add3A_253 = arith.addf %add3A_248, %get3A_252 : vector<16xf32>
      %reduce_sum3A = arith.constant true
      %reduce_sum3A_254 = vector.broadcast %reduce_sum3A : i1 to vector<16xi1>
      %reduce_sum3A_255 = tpu.scan <sum>, %add3A_253 masked %reduce_sum3A_254 : vector<16xf32>, vector<16xi1> -> vector<16xf32>
      %reduce_sum3A_256 = vector.extract %reduce_sum3A_255[15] : f32 from vector<16xf32>
      %mul3A_257 = arith.constant 9.99999974E-5 : f32
      %mul3A_258 = arith.mulf %reduce_sum3A_256, %mul3A_257 : f32
      %add3A_259 = vector.broadcast %mul3A_258 : f32 to vector<16xf32>
      %add3A_260 = arith.addf %broadcast_in_dim3A_163, %add3A_259 : vector<16xf32>
      %swap3A_261 = arith.constant 0 : index
      %swap3A_262 = tpu.vector_load %arg11[%swap3A_261] {strides = array<i32>} : memref<16xf32, #tpu.memory_space<vmem>>, vector<16xf32>,
      tpu.vector_store %arg11[%swap3A_261], %add3A_260 {strides = array<i32>} : memref<16xf32, #tpu.memory_space<vmem>>, vector<16xf32>,
      "tpu.region"() ({
        %run_scoped3A_263 = tpu.sem_alloc : memref<!tpu.dma_semaphore, #tpu.memory_space<semaphore_mem>>
        %dma_start3A_264 = arith.constant 0 : i32
        %dma_start3A_265 = tpu.memref_slice %arg5[%arg0, %dma_start3A_264] : memref<2x16xf32, #tpu.memory_space<hbm>> -> memref<1x16xf32, #tpu.memory_space<hbm>>
        %dma_start3A_266 = tpu.memref_squeeze %dma_start3A_265 : memref<1x16xf32, #tpu.memory_space<hbm>> -> memref<16xf32, #tpu.memory_space<hbm>>
        %dma_start3A_267 = arith.constant 0 : i32
        %dma_start3A_268 = tpu.memref_slice %arg5[%arg0, %dma_start3A_267] : memref<2x16xf32, #tpu.memory_space<hbm>> -> memref<1x16xf32, #tpu.memory_space<hbm>>
        %dma_start3A_269 = tpu.memref_squeeze %dma_start3A_268 : memref<1x16xf32, #tpu.memory_space<hbm>> -> memref<16xf32, #tpu.memory_space<hbm>>
        tpu.enqueue_dma source(%arg11 : memref<16xf32, #tpu.memory_space<vmem>>) target(%dma_start3A_269 : memref<16xf32, #tpu.memory_space<hbm>>) target_semaphore(%run_scoped3A_263 : memref<!tpu.dma_semaphore, #tpu.memory_space<semaphore_mem>>)
        %dma_wait3A_270 = arith.constant 0 : i32
        %dma_wait3A_271 = tpu.memref_slice %arg5[%arg0, %dma_wait3A_270] : memref<2x16xf32, #tpu.memory_space<hbm>> -> memref<1x16xf32, #tpu.memory_space<hbm>>
        %dma_wait3A_272 = tpu.memref_squeeze %dma_wait3A_271 : memref<1x16xf32, #tpu.memory_space<hbm>> -> memref<16xf32, #tpu.memory_space<hbm>>
        %dma_wait3A_273 = arith.constant 0 : i32
        %dma_wait3A_274 = tpu.memref_slice %arg5[%arg0, %dma_wait3A_273] : memref<2x16xf32, #tpu.memory_space<hbm>> -> memref<1x16xf32, #tpu.memory_space<hbm>>
        %dma_wait3A_275 = tpu.memref_squeeze %dma_wait3A_274 : memref<1x16xf32, #tpu.memory_space<hbm>> -> memref<16xf32, #tpu.memory_space<hbm>>
        tpu.wait_dma2 semaphore(%run_scoped3A_263 : memref<!tpu.dma_semaphore, #tpu.memory_space<semaphore_mem>>) src(%arg11 : memref<16xf32, #tpu.memory_space<vmem>>) dst(%dma_wait3A_275 : memref<16xf32, #tpu.memory_space<hbm>>)
        tpu.yield
      }) : () -> ()
    } else {
    }
    return
  }
}

</mosaic_0001>

<sc_bundles>
// kernel: kernel.3.cloned.1.call-start
scs
__scs_entry_jumppad:
0x0: {  	(pc) =	sbr.rel $0x88, $3  }
0x1: {  	(tag) =	ssettag $0x0;
	lr =	simm.s32 $0x1  }
0x2: {  	[smem:$0x3F9E] =	sst lr;
	_ =	strace $0xD0000000  }
0x3: {  	_ = 	snop  }
0x4: {  	_ = 	snop  }
0x5: {  	_ = 	snop  }
0x6: {  	_ = 	snop  }
0x7: {  	_ = 	snop  }
__scs_overlays_trampoline_lowered:
0x8: {  	[smem:$0x3FAD] =	sst s0  }
0x9: {  	[smem:$0x3FAE] =	sst s1  }
0xa: {  	[smem:$0x3FAF] =	sst s2  }
0xb: {  	[smem:$0x3FB0] =	sst s3  }
0xc: {  	[smem:$0x3FB1] =	sst s4  }
0xd: {  	[smem:$0x3FB2] =	sst s5  }
0xe: {  	[smem:$0x3FB3] =	sst s6  }
0xf: {  	[smem:$0x3FB4] =	sst s7  }
0x10: {  	[smem:$0x3FB5] =	sst s8  }
0x11: {  	[smem:$0x3FB6] =	sst s9;
	s0 =	simm.s32 @!p0 $0x0  }
0x12: {  	s1 =	sld [smem:$0x3F9C];
	s0 =	simm.s32 @p0 $0x1  }
0x13: {  	[smem:$0x3FB7] =	sst s0;
	s0 =	simm.s32 @!p1 $0x0  }
0x14: {  	s2 =	sld [smem:$0x3F9B];
	s0 =	simm.s32 @p1 $0x1  }
0x15: {  	[smem:$0x3FB8] =	sst s0;
	s0 =	simm.s32 @!p2 $0x0  }
0x16: {  	s3 =	sld [smem:$0x3FDB];
	s0 =	simm.s32 @p2 $0x1  }
0x17: {  	s4 =	simm.s32 $0x1BF5;
	[smem:$0x3FBA] =	sst s0  }
0x18: {  	s0 =	sld [smem:$0x3F9D];
	_ =	swait.ge [sflag:s4], $0x0  }
0x19: {  	s7 =	sld [smem:$0x3F9E]  }
0x1a: {  	s8 =	sadd.s32 $0xFFFFE003, lr  }
0x1b: {  	s9 =	sadd.s32 $0xFFFFFEF7, lr;
	s5 =	simm.s32 $0xFFFFFFFF;
	p2 =	slt.u32 s8, $0xFFFFF086  }
0x1c: {  	p1 =	slt.u32 s9, $0xF7A;
	s5 =	simm.s32 @!p2 $0x0  }
0x1d: {  	s5 =	simm.s32 @p1 $0x1;
	p0 =	seq.s32 s7, s2  }
0x1e: {  	s7 =	smul.u32 @!p0 $0xF7A, s2;
	p2 =	seq.s32 @!p0 s5, $0x0  }
0x1f: {  	s9 =	smul.u32 $0xF7A, s1;
	s8 =	simm.s32 @!p0 $0x1BF5;
	p2 =	por !p2, p0  }
0x20: {  	[sflag:s8] =	ssyncset.s32 @!p0 $0xFFFFF086;
	s6 =	sadd.s32 @!p0 s3, s7;
	s7 =	simm.s32 @!p0 $0x108  }
0x21: {  	s3 =	sadd.s32 s3, s9;
	s6 =	sadd.s32 @!p0 $0x88, s6;
	s7 =	simm.s32 @p2 $0x1082  }
0x22: {  	[simem:s7], [sflag:s8] =	dma.local @!p0 [hbm:s6], $0xF7A  }
0x23: {  	s9 =	sor.u32 $0xD0000000, s2;
	s6 =	simm.s32 $0x108;
	_ =	swait.ge @!p0 [sflag:s8], $0x0  }
0x24: {  	s3 =	sadd.s32 $0x88, s3;
	s6 =	simm.s32 @!p1 $0x1082;
	[sflag:s4] =	ssyncset.s32 $0xFFFFF086  }
0x25: {  	[simem:s6], [sflag:s4] =	dma.local [hbm:s3], $0xF7A  }
0x26: {  	[smem:$0x3F9E] =	sst s1;
	(tag) =	ssettag s2;
	_ =	strace s9  }
0x27: {  	s1 =	sld [smem:$0x3FAE]  }
0x28: {  	s2 =	sld [smem:$0x3FAF]  }
0x29: {  	s4 =	sld [smem:$0x3FB1]  }
0x2a: {  	p0 =	seq.s32 s5, $0x0;
	s5 =	sld [smem:$0x3FB2]  }
0x2b: {  	s6 =	sld [smem:$0x3FB3]  }
0x2c: {  	s7 =	sld [smem:$0x3FB4]  }
0x2d: {  	s3 =	simm.s32 $0x108;
	s8 =	sld [smem:$0x3FB5]  }
0x2e: {  	s3 =	simm.s32 @!p0 $0x1082;
	s9 =	sld [smem:$0x3FB6]  }
0x2f: {  	lr =	sadd.s32 s0, s3;
	s0 =	sld [smem:$0x3FAD]  }
0x30: {  	s3 =	sld [smem:$0x3FB0]  }
0x31: {  	[smem:$0x3FB9] =	sst s10  }
0x32: {  	s10 =	sld [smem:$0x3FB7];
	_ =	sdelay $0x3  }
0x33: {  	p0 =	seq.s32 s10, $0x1;
	s10 =	sld [smem:$0x3FB9];
	_ =	sdelay $0x3  }
0x34: {  	[smem:$0x3FB9] =	sst s10  }
0x35: {  	s10 =	sld [smem:$0x3FB8];
	_ =	sdelay $0x3  }
0x36: {  	p1 =	seq.s32 s10, $0x1;
	s10 =	sld [smem:$0x3FB9];
	_ =	sdelay $0x3  }
0x37: {  	[smem:$0x3FB9] =	sst s10  }
0x38: {  	s10 =	sld [smem:$0x3FBA]  }
0x39: {  	_ = 	snop;
	(pc) =	sbr.ind lr, $3  }
0x3a: {  	_ = 	snop  }
0x3b: {  	_ = 	snop  }
0x3c: {  	p2 =	seq.s32 s10, $0x1;
	s10 =	sld [smem:$0x3FB9]  }
0x3d: {  	_ =	shalt  }
0x3e: {  	_ =	shalt  }
0x3f: {  	_ =	shalt  }
0x40: {  	_ =	shalt  }
0x41: {  	_ =	shalt  }
0x42: {  	_ =	shalt  }
0x43: {  	_ =	shalt  }
0x44: {  	_ =	shalt  }
0x45: {  	_ =	shalt  }
0x46: {  	_ =	shalt  }
0x47: {  	_ =	shalt  }
0x48: {  	_ =	shalt  }
0x49: {  	_ =	shalt  }
0x4a: {  	_ =	shalt  }
0x4b: {  	_ =	shalt  }
0x4c: {  	_ =	shalt  }
0x4d: {  	_ =	shalt  }
0x4e: {  	_ =	shalt  }
0x4f: {  	_ =	shalt  }
0x50: {  	_ =	shalt  }
0x51: {  	_ =	shalt  }
0x52: {  	_ =	shalt  }
0x53: {  	_ =	shalt  }
0x54: {  	_ =	shalt  }
0x55: {  	_ =	shalt  }
0x56: {  	_ =	shalt  }
0x57: {  	_ =	shalt  }
0x58: {  	_ =	shalt  }
0x59: {  	_ =	shalt  }
0x5a: {  	_ =	shalt  }
0x5b: {  	_ =	shalt  }
0x5c: {  	_ =	shalt  }
0x5d: {  	_ =	shalt  }
0x5e: {  	_ =	shalt  }
0x5f: {  	_ =	shalt  }
0x60: {  	_ =	shalt  }
0x61: {  	_ =	shalt  }
0x62: {  	_ =	shalt  }
0x63: {  	_ =	shalt  }
0x64: {  	_ =	shalt  }
0x65: {  	_ =	shalt  }
0x66: {  	_ =	shalt  }
0x67: {  	_ =	shalt  }
0x68: {  	_ =	shalt  }
0x69: {  	_ =	shalt  }
0x6a: {  	_ =	shalt  }
0x6b: {  	_ =	shalt  }
0x6c: {  	_ =	shalt  }
0x6d: {  	_ =	shalt  }
0x6e: {  	_ =	shalt  }
0x6f: {  	_ =	shalt  }
0x70: {  	_ =	shalt  }
0x71: {  	_ =	shalt  }
0x72: {  	_ =	shalt  }
0x73: {  	_ =	shalt  }
0x74: {  	_ =	shalt  }
0x75: {  	_ =	shalt  }
0x76: {  	_ =	shalt  }
0x77: {  	_ =	shalt  }
0x78: {  	_ =	shalt  }
0x79: {  	_ =	shalt  }
0x7a: {  	_ =	shalt  }
0x7b: {  	_ =	shalt  }
0x7c: {  	_ =	shalt  }
0x7d: {  	_ =	shalt  }
0x7e: {  	_ =	shalt  }
0x7f: {  	_ =	shalt  }
0x80: {  	_ =	shalt  }
0x81: {  	_ =	shalt  }
0x82: {  	_ =	shalt  }
0x83: {  	_ =	shalt  }
0x84: {  	_ =	shalt  }
0x85: {  	_ =	shalt  }
0x86: {  	_ =	shalt  }
0x87: {  	_ =	shalt  }
.Lfunc_end0:
.L_simem_size_0:
called_computation_lowered:
.L_overlay_start_0:
0x88: {  	s2 =	sld [smem:$0x3FD9]  }
0x89: {  	s3 =	sld [smem:$0x3FFE];
	_ =	sdelay $0x1  }
0x8a: {  	s1 =	srdreg.scid  }
0x8b: {  	s0 =	sand.u32 $0x1, s1  }
0x8c: {  	s17 =	sshll.u32 s0, $0xA;
	s2 =	sadd.s32 s3, s2  }
0x8d: {  	s2 =	sadd.s32 s2, s17  }
0x8e: {  	[smem:$0x3FC5] =	sst s2  }
0x8f: {  	_ = 	snop  }
0x90: {  	s2 =	sld [smem:$0x3FC8]  }
0x91: {  	s18 =	sld [smem:$0x3FC7]  }
0x92: {  	s4 =	sld [smem:$0x3FD0];
	(tm) =	ssettm $0x1  }
0x93: {  	s5 =	sld [smem:$0x3FFB];
	_ =	sdelay $0x3  }
0x94: {  	_ =	strace s5  }
0x95: {  	s5 =	sld [smem:$0x3FFC];
	_ =	sdelay $0x3  }
0x96: {  	_ =	strace s5  }
0x97: {  	s5 =	sld [smem:$0x3FFD];
	_ =	sdelay $0x3  }
0x98: {  	_ =	strace s5  }
0x99: {  	_ =	strace $0x8FFFFFFF  }
0x9a: {  	s19 =	sld [smem:$0x3FDB];
	_ =	sdelay $0x1  }
0x9b: {  	s6 =	simm.s32 $_scs_section_size  }
0x9c: {  	s7 =	simm.s32 $_size__tile_overlayer_lowered;
	s8 =	simm.s32 $_tile_overlayer_lowered  }
0x9d: {  	s22 =	simm.s32 $0x1BFF;
	s21 =	sshll.u32 s8, $0x1;
	s5 =	sadd.s32 s6, s19  }
0x9e: {  	s9 =	simm.s32 $0x0;
	s20 =	sshll.u32 s7, $0x1;
	s7 =	sadd.s32 s21, s5  }
0x9f: {  	[timem:s9], [sflag:s22] =	dma.local [hbm:s7], s20  }
0xa0: {  	_ =	swait.ge [sflag:s22], s20  }
0xa1: {  	s6 =	ssub.s32 $0x0, s20;
	[sflag:s22] =	ssyncset.done $0x0  }
0xa2: {  	[sflag:s22] =	ssyncadd.s32 s6;
	_ =	sdelay $0x1  }
0xa3: {  	s23 =	simm.s32 $0x1B8B  }
0xa4: {  	_ =	swait.ge [sflag:s23], $0x1  }
0xa5: {  	[sflag:s23] =	ssyncset.done $0x0  }
0xa6: {  	s25 =	simm.s32 $0x1B8E;
	s24 =	sld [smem:$0x3FFE];
	[sflag:s23] =	ssyncadd.s32 $0xFFFFFFFF  }
0xa7: {  	s26 =	simm.s32 $execute0_lowered;
	[smem:$0x3FD2] =	sst s25  }
0xa8: {  	s7 =	sshll.u32 s26, $0x1;
	_ =	strace $0x80000046;
	[dreg:$0x1] =	wrdreg $0xFFFFFFFF  }
0xa9: {  	s28 =	simm.s32 $_size_execute0_lowered;
	s5 =	sadd.s32 s5, s7;
	[dreg:$0x0] =	wrdreg $0x0  }
0xaa: {  	s7 =	sshll.u32 s28, $0x1;
	[dreg:$0x2] =	wrdreg s5  }
0xab: {  	[dreg:$0x3] =	wrdreg s7  }
0xac: {  	[dreg:$0x4] =	wrdreg $0xC0  }
0xad: {  	_ =	task [dreg:s9], $0x5FFFF  }
0xae: {  	[dreg:$0x1] =	wrdreg $0xFFFFFFFF  }
0xaf: {  	[dreg:$0x0] =	wrdreg $0x60  }
0xb0: {  	[dreg:$0x2] =	wrdreg s24  }
0xb1: {  	[dreg:$0x3] =	wrdreg s2  }
0xb2: {  	[dreg:$0x4] =	wrdreg s18  }
0xb3: {  	[dreg:$0x5] =	wrdreg s4  }
0xb4: {  	[dreg:$0x6] =	wrdreg $0x52800  }
0xb5: {  	[dreg:$0x7] =	wrdreg $0x9  }
0xb6: {  	_ =	task.clear_ibuf [dreg:s9], $0x8FFFF;
	_ =	strace $0x90000046  }
0xb7: {  	s29 =	simm.s32 $0x9;
	_ =	strace $0x80000048  }
0xb8: {  	_ =	swait.ge [sflag:s29], $0x1  }
0xb9: {  	[sflag:s29] =	ssyncadd.s32 $0xFFFFFFFF  }
0xba: {  	_ =	strace $0x90000048  }
0xbb: {  	_ =	sfence  }
0xbc: {  	s30 =	sld [smem:$0x0];
	_ =	sdelay $0x2  }
0xbd: {  	s31 =	sshll.u32 s1, $0xD;
	s1 =	sshrl.u32 s1, $0x2  }
0xbe: {  	s3 =	sand.u32 $0x4000, s31;
	s1 =	sadd.s32 s1, s30  }
0xbf: {  	s0 =	sor.u32 s3, s0;
	s1 =	sshll.u32 s1, $0x11  }
0xc0: {  	s0 =	sor.u32 s1, s0  }
0xc1: {  	s0 =	sadd.s32 $0x8F2B, s0  }
0xc2: {  	[sflag:s0] =	ssyncadd.remote.s32 $0x1  }
0xc3: {  	_ =	sfence.sel $0xFFFF  }
0xc4: {  	[dreg:$0x0] =	wrdreg $0xFFFFFFFF;
	(pc) =	sbr.abs _section_cstart, $3  }
0xc5: {  	[dreg:$0x1] =	wrdreg $0xFFFFFFFF  }
0xc6: {  	_ =	task.clear_ibuf [dreg:s9], $0x2FFFF;
	_ =	strace $0x9FFFFFFF  }
0xc7: {  	(tm) =	ssettm $0x7FFFFFFF  }
tec
execute0_lowered:
.L_overlay_start_1:
0x0: {  	(tag) =	ssettag $0x1  }
0x1: {  	s5 =	rddreg [dreg:$0x0]  }
0x2: {  	s0 =	rddreg [dreg:$0x1]  }
0x3: {  	s9 =	rddreg [dreg:$0x2]  }
0x4: {  	s1 =	srdreg.scid;
	s11 =	rddreg [dreg:$0x3]  }
0x5: {  	s26 =	rddreg [dreg:$0x4];
	s25 =	stileid.u32  }
0x6: {  	s3 =	simm.s32 $0x0;
	s14 =	simm.s32 $0x50;
	s15 =	simm.s32 $0xA0  }
0x7: {  	s16 =	simm.s32 $0xF0;
	s17 =	simm.s32 $0x140;
	s19 =	simm.s32 $0x1540  }
0x8: {  	s20 =	simm.s32 $0x5190;
	s21 =	simm.s32 $0x2940;
	s22 =	simm.s32 $0x51E0  }
0x9: {  	s23 =	simm.s32 $0x3D40;
	s24 =	simm.s32 $0x5230;
	s28 =	simm.s32 $0x0  }
0xa: {  	s12 =	sand.u32 $0x1, s1;
	[smem:$0x7FF] =	sst s3;
	s5 =	sadd.s32 $0x187000, s5  }
0xb: {  	s31 =	sshll.u32 s25, $0x4;
	p0 =	sne.s32 s25, $0x0;
	s4 =	sshll.u32 s12, $0x4  }
0xc: {  	s6 =	ssub.s32 $0x2, s12;
	_ =	strace $0x80000047;
	s4 =	sor.u32 s25, s4  }
0xd: {  	s12 =	sshll.u32 s12, $0x1;
	s7 =	sshrl.u32 s6, $0x1;
	s4 =	smul.u32 $0x140, s4  }
0xe: {  	s11 =	sadd.s32 s11, s12;
	s25 =	simm.s32 $0x1;
	s13 =	ssub.s32 s6, s7  }
0xf: {  	s12 =	smax.u32 s13, $0x1;
	s13 =	simm.s32 $0x2;
	s29 =	sshrl.u32 s4, $0x3  }
0x10: {  	s30 =	smin.u32 s4, $0x2670;
	s8 =	smin.u32 s4, $0x2620;
	s10 =	smin.u32 s4, $0x25D0  }
0x11: {  	s6 =	sadd.s32 s9, s29;
	s7 =	sshrl.u32 s30, $0x3;
	s8 =	sshrl.u32 s8, $0x3  }
0x12: {  	s10 =	sshrl.u32 s10, $0x3;
	s7 =	sadd.s32 s9, s7;
	s8 =	sadd.s32 s9, s8  }
0x13: {  	v0 =	vlaneseq.u32;
	s9 =	sadd.s32 s9, s10;
	s10 =	sadd.s32 s31, s26;
	s26 =	simm.s32 $0x5390  }
0x14: {  	v1 =	vmul.u32 $0x40, v0;
	v2 =	vor.u32 $0xFFFFFFC0, v0;
	s7 =	sadd.s32 $0xA, s7;
	s8 =	sadd.s32 $0x14, s8;
	s9 =	sadd.s32 $0x1E, s9  }
.LBB2_1:
0x15: {  	[tilespmem:s3], [sflag:$0x2] =	stream.linear.gather [hbm4b:s6+s3], $0x50, $0x38;
	[tilespmem:$0x53A0] =	vst v63  }
0x16: {  	_ =	swait.ge [sflag:s13], $0x50  }
0x17: {  	[sflag:s13] =	ssyncset.done $0x0  }
0x18: {  	[sflag:s13] =	ssyncadd.s32 $0xFFFFFFB0  }
0x19: {  	[tilespmem:s14], [sflag:$0x2] =	stream.linear.gather [hbm4b:s7+s3], $0x50, $0x38;
	[tilespmem:$0x53A0] =	vst v63  }
0x1a: {  	_ =	swait.ge [sflag:s13], $0x50  }
0x1b: {  	[sflag:s13] =	ssyncset.done $0x0  }
0x1c: {  	[sflag:s13] =	ssyncadd.s32 $0xFFFFFFB0  }
0x1d: {  	[tilespmem:s15], [sflag:$0x2] =	stream.linear.gather [hbm4b:s8+s3], $0x50, $0x38;
	[tilespmem:$0x53A0] =	vst v63  }
0x1e: {  	_ =	swait.ge [sflag:s13], $0x50  }
0x1f: {  	[sflag:s13] =	ssyncset.done $0x0  }
0x20: {  	[sflag:s13] =	ssyncadd.s32 $0xFFFFFFB0  }
0x21: {  	[tilespmem:s16], [sflag:$0x2] =	stream.linear.gather [hbm4b:s9+s3], $0x50, $0x38;
	[tilespmem:$0x53A0] =	vst v63  }
0x22: {  	_ =	swait.ge [sflag:s13], $0x50  }
0x23: {  	[sflag:s13] =	ssyncset.done $0x0  }
0x24: {  	[sflag:s13] =	ssyncadd.s32 $0xFFFFFFB0  }
0x25: {  	[tilespmem:s17], [sflag:$0x1] =	stream.indirect.gather [hbm4b:s5+s14], $0x40, s3, s14, $0xb8;
	[tilespmem:$0x53A0] =	vst v63  }
0x26: {  	s1 =	simm.s32 $0x5140  }
0x27: {  	[tilespmem:s1], [sflag:$0x1] =	stream.indirect.gather [hbm4b:s0+s14], $0x1, s3, s14, $0xb8;
	[tilespmem:$0x53A0] =	vst v63  }
0x28: {  	_ = 	snop  }
0x29: {  	[tilespmem:s19], [sflag:$0x1] =	stream.indirect.gather [hbm4b:s5+s14], $0x40, s14, s14, $0xb8;
	[tilespmem:$0x53A0] =	vst v63  }
0x2a: {  	_ = 	snop  }
0x2b: {  	[tilespmem:s20], [sflag:$0x1] =	stream.indirect.gather [hbm4b:s0+s14], $0x1, s14, s14, $0xb8;
	[tilespmem:$0x53A0] =	vst v63  }
0x2c: {  	_ = 	snop  }
0x2d: {  	[tilespmem:s21], [sflag:$0x1] =	stream.indirect.gather [hbm4b:s5+s14], $0x40, s15, s14, $0xb8;
	[tilespmem:$0x53A0] =	vst v63  }
0x2e: {  	_ = 	snop  }
0x2f: {  	[tilespmem:s22], [sflag:$0x1] =	stream.indirect.gather [hbm4b:s0+s14], $0x1, s15, s14, $0xb8;
	[tilespmem:$0x53A0] =	vst v63  }
0x30: {  	_ = 	snop  }
0x31: {  	[tilespmem:s23], [sflag:$0x1] =	stream.indirect.gather [hbm4b:s5+s14], $0x40, s16, s14, $0xb8;
	[tilespmem:$0x53A0] =	vst v63  }
0x32: {  	_ = 	snop  }
0x33: {  	[tilespmem:s24], [sflag:$0x1] =	stream.indirect.gather [hbm4b:s0+s14], $0x1, s16, s14, $0xb8;
	[tilespmem:$0x53A0] =	vst v63  }
0x34: {  	_ =	swait.ge [sflag:s25], $0x1400  }
0x35: {  	[sflag:s25] =	ssyncset.done $0x0  }
0x36: {  	[sflag:s25] =	ssyncadd.s32 $0xFFFFEC00  }
0x37: {  	_ =	swait.ge [sflag:s25], $0x50  }
0x38: {  	[sflag:s25] =	ssyncset.done $0x0  }
0x39: {  	[sflag:s25] =	ssyncadd.s32 $0xFFFFFFB0  }
0x3a: {  	_ =	swait.ge [sflag:s25], $0x1400  }
0x3b: {  	[sflag:s25] =	ssyncset.done $0x0  }
0x3c: {  	[sflag:s25] =	ssyncadd.s32 $0xFFFFEC00  }
0x3d: {  	_ =	swait.ge [sflag:s25], $0x50  }
0x3e: {  	[sflag:s25] =	ssyncset.done $0x0  }
0x3f: {  	[sflag:s25] =	ssyncadd.s32 $0xFFFFFFB0  }
0x40: {  	_ =	swait.ge [sflag:s25], $0x1400  }
0x41: {  	[sflag:s25] =	ssyncset.done $0x0  }
0x42: {  	[sflag:s25] =	ssyncadd.s32 $0xFFFFEC00  }
0x43: {  	_ =	swait.ge [sflag:s25], $0x50  }
0x44: {  	[sflag:s25] =	ssyncset.done $0x0  }
0x45: {  	[sflag:s25] =	ssyncadd.s32 $0xFFFFFFB0  }
0x46: {  	_ =	swait.ge [sflag:s25], $0x1400  }
0x47: {  	[sflag:s25] =	ssyncset.done $0x0  }
0x48: {  	[sflag:s25] =	ssyncadd.s32 $0xFFFFEC00  }
0x49: {  	_ =	swait.ge [sflag:s25], $0x50  }
0x4a: {  	[sflag:s25] =	ssyncset.done $0x0  }
0x4b: {  	v3 =	vimm.f32 $0.0e+00;
	s29 =	simm.s32 $0x0;
	[sflag:s25] =	ssyncadd.s32 $0xFFFFFFB0  }
.LBB2_2:
0x4c: {  	s30 =	sshll.u32 s29, $0x4;
	s31 =	simm.s32 $0x0;
	v6 =	vimm.f32 $-Inf;
	v8 =	vimm.f32 $0.0e+00;
	v7 =	vimm.f32 $0.0e+00  }
0x4d: {  	s1 =	simm.s32 $0x7;
	s2 =	simm.s32 $0x6;
	v4 =	vmov s30;
	v19 =	vadd.s32 s31, v0;
	v20 =	vadd.s32 s31, v2  }
0x4e: {  	s18 =	simm.s32 $0x4;
	v9 =	vadd.s32 s1, v2;
	v13 =	vadd.s32 s1, v0;
	v11 =	vadd.s32 s2, v0  }
0x4f: {  	s31 =	simm.s32 $0x5;
	v12 =	vadd.s32 s2, v2;
	v15 =	vadd.s32 s18, v0;
	v16 =	vadd.s32 s18, v2  }
0x50: {  	s1 =	simm.s32 $0x3;
	s18 =	simm.s32 $0x1;
	v4 =	vshll.u32 v4, $0x6;
	v10 =	vadd.s32 s31, v2;
	v14 =	vadd.s32 s31, v0  }
0x51: {  	v17 =	vadd.s32 s1, v2;
	v21 =	vadd.s32 s1, v0;
	v26 =	vadd.s32 s18, v2  }
0x52: {  	s31 =	simm.s32 $0x2;
	v27 =	vadd.s32 s18, v0;
	vm0 =	vgt.u32 v19, $0x3F;
	vm1 =	vgt.u32 v13, $0x3F  }
0x53: {  	v5 =	vor.u32 v1, v4;
	v23 =	vadd.s32 s31, v0;
	v24 =	vadd.s32 s31, v2;
	v4 =	vld [tilespmem:s30+$0x5140];
	s31 =	simm.s32 $0x8  }
.LBB2_3:
0x54: {  	p1 =	slt.u32 s31, $0x38;
	vm2 =	vgt.u32 v15, $0x3F;
	vm3 =	vgt.u32 v14, $0x3F;
	vm4 =	vgt.u32 v11, $0x3F  }
0x55: {  	v28 =	vsel vm0, v20, v19;
	vm0 =	vgt.u32 v23, $0x3F;
	vm5 =	vgt.u32 v21, $0x3F  }
0x56: {  	vm6 =	vgt.u32 v27, $0x3F;
	v18 =	vsel vm1, v9, v13;
	v19 =	vand.u32 $0xFFFFFFF8, v28  }
0x57: {  	v9 =	vand.u32 $0x7, v28;
	v29 =	vsel vm6, v26, v27;
	v13 =	vadd.s32 v5, v19  }
0x58: {  	v22 =	vsel vm4, v12, v11;
	v9 =	vor.u32 v9, v13;
	v13 =	vand.u32 $0xFFFFFFF8, v29  }
0x59: {  	v30 =	vsel vm0, v24, v23;
	v11 =	vand.u32 $0x7, v29;
	v12 =	vadd.s32 v5, v13  }
0x5a: {  	v25 =	vsel vm3, v10, v14;
	v11 =	vor.u32 v11, v12;
	v12 =	vand.u32 $0xFFFFFFF8, v30  }
0x5b: {  	v31 =	vsel vm5, v17, v21;
	v10 =	vand.u32 $0x7, v30;
	v12 =	vadd.s32 v5, v12  }
0x5c: {  	v32 =	vsel vm2, v16, v15;
	v10 =	vor.u32 v10, v12;
	v12 =	vand.u32 $0xFFFFFFF8, v31  }
0x5d: {  	v14 =	vand.u32 $0x7, v18;
	v13 =	vand.u32 $0x7, v31;
	v12 =	vadd.s32 v5, v12;
	v9 =	vld.idx.msk [tilespmem:v9+s17+$0x0], $0xffff  }
0x5e: {  	v15 =	vand.u32 $0xFFFFFFF8, v18;
	v12 =	vor.u32 v13, v12;
	v13 =	vand.u32 $0xFFFFFFF8, v32  }
0x5f: {  	v16 =	vand.u32 $0x7, v32;
	v17 =	vand.u32 $0xFFFFFFF8, v22;
	v13 =	vadd.s32 v5, v13;
	v11 =	vld.idx.msk [tilespmem:v11+s17+$0x0], $0xffff  }
0x60: {  	v15 =	vadd.s32 v5, v15;
	v16 =	vor.u32 v16, v13;
	v13 =	vand.u32 $0xFFFFFFF8, v25  }
0x61: {  	v14 =	vor.u32 v14, v15;
	v13 =	vadd.s32 v5, v13;
	v21 =	vld.idx.msk [tilespmem:v10+s17+$0x0], $0xffff;
	v10 =	vand.u32 $0x7, v25  }
0x62: {  	v15 =	vor.u32 v10, v13;
	v10 =	vand.u32 $0x7, v22;
	v13 =	vadd.s32 v5, v17  }
0x63: {  	s1 =	sadd.s32 $0x7, s31;
	v17 =	vmul.f32 $1.442695020e+00, v9;
	v23 =	vld.idx.msk [tilespmem:v12+s17+$0x0], $0xffff;
	v24 =	vor.u32 v10, v13  }
0x64: {  	v20 =	vadd.s32 s31, v2;
	v19 =	vadd.s32 s31, v0;
	v9 =	vadd.s32 s1, v2  }
0x65: {  	s2 =	sadd.s32 $0x5, s31;
	s18 =	sadd.s32 $0x6, s31;
	v13 =	vadd.s32 s1, v0;
	v26 =	vmul.f32 $1.442695020e+00, v11;
	v33 =	vld.idx.msk [tilespmem:v16+s17+$0x0], $0xffff;
	(erf) = vpow2.f32 v17  }
0x66: {  	v10 =	vadd.s32 s2, v2;
	v12 =	vadd.s32 s18, v2;
	v11 =	vadd.s32 s18, v0;
	v34 =	vld.idx.msk [tilespmem:v14+s17+$0x0], $0xffff  }
0x67: {  	s1 =	sadd.s32 $0x3, s31;
	s18 =	sadd.s32 $0x4, s31;
	v14 =	vadd.s32 s2, v0;
	v27 =	vmul.f32 $1.442695020e+00, v21;
	v35 =	vld.idx.msk [tilespmem:v15+s17+$0x0], $0xffff;
	(erf) = vpow2.f32 v26  }
0x68: {  	v17 =	vadd.s32 s1, v2;
	v16 =	vadd.s32 s18, v2;
	v15 =	vadd.s32 s18, v0;
	v36 =	vld.idx.msk [tilespmem:v24+s17+$0x0], $0xffff  }
0x69: {  	s2 =	sadd.s32 $0x1, s31;
	v21 =	vadd.s32 s1, v0;
	s18 =	sadd.s32 $0x2, s31;
	v37 =	vmul.f32 $1.442695020e+00, v23;
	(erf) = vpow2.f32 v27  }
0x6a: {  	v26 =	vadd.s32 s2, v2;
	v23 =	vadd.s32 s18, v0;
	v24 =	vadd.s32 s18, v2  }
0x6b: {  	v27 =	vadd.s32 s2, v0;
	v33 =	vmul.f32 $1.442695020e+00, v33;
	(erf) = vpow2.f32 v37  }
0x6c: {  	vm2 =	veq.s32 v4, v28;
	vm1 =	veq.s32 v4, v31;
	vm0 =	vgt.u32 v19, $0x3F  }
0x6d: {  	vm3 =	veq.s32 v4, v30;
	v35 =	vmul.f32 $1.442695020e+00, v35;
	(erf) = vpow2.f32 v33  }
0x6e: {  	vm4 =	veq.s32 v4, v29;
	v30 =	vmul.f32 $1.442695020e+00, v34;
	v29 =	vmul.f32 $1.442695020e+00, v36;
	v31 =	vpop (erf)  }
0x6f: {  	v33 =	vmax.f32 v6, v31;
	v34 =	vnsel vm2, $0x0, v31;
	(erf) = vpow2.f32 v35  }
0x70: {  	v8 =	vadd.f32 v31, v8;
	v6 =	vsel vm2, v6, v33;
	v7 =	vadd.f32 v34, v7;
	v28 =	vpop (erf)  }
0x71: {  	v31 =	vmax.f32 v6, v28;
	v33 =	vnsel vm4, $0x0, v28;
	(erf) = vpow2.f32 v29  }
0x72: {  	v8 =	vadd.f32 v28, v8;
	v6 =	vsel vm4, v6, v31;
	v7 =	vadd.f32 v33, v7;
	v28 =	vpop (erf)  }
0x73: {  	v29 =	vmax.f32 v6, v28;
	v31 =	vnsel vm3, $0x0, v28;
	(erf) = vpow2.f32 v30  }
0x74: {  	v8 =	vadd.f32 v28, v8;
	v6 =	vsel vm3, v6, v29;
	v7 =	vadd.f32 v31, v7;
	v28 =	vpop (erf)  }
0x75: {  	vm2 =	veq.s32 v4, v32;
	v29 =	vmax.f32 v6, v28;
	v30 =	vnsel vm1, $0x0, v28  }
0x76: {  	v8 =	vadd.f32 v28, v8;
	v6 =	vsel vm1, v6, v29;
	v7 =	vadd.f32 v30, v7;
	v28 =	vpop (erf)  }
0x77: {  	vm1 =	veq.s32 v4, v25;
	v29 =	vmax.f32 v6, v28;
	v30 =	vnsel vm2, $0x0, v28  }
0x78: {  	v8 =	vadd.f32 v28, v8;
	v6 =	vsel vm2, v6, v29;
	v7 =	vadd.f32 v30, v7;
	v25 =	vpop (erf)  }
0x79: {  	vm2 =	veq.s32 v4, v22;
	v28 =	vmax.f32 v6, v25;
	v29 =	vnsel vm1, $0x0, v25  }
.Ltmp0:
0x7a: {  	v8 =	vadd.f32 v25, v8;
	v6 =	vsel vm1, v6, v28;
	v7 =	vadd.f32 v29, v7;
	v22 =	vpop (erf);
	(pc) =	sbr.rel @p1 .LBB2_3-.Ltmp0, $4  }
0x7b: {  	vm3 =	veq.s32 v4, v18;
	v25 =	vmax.f32 v6, v22;
	v28 =	vnsel vm2, $0x0, v22  }
0x7c: {  	v8 =	vadd.f32 v22, v8;
	v6 =	vsel vm2, v6, v25;
	v7 =	vadd.f32 v28, v7;
	v18 =	vpop (erf)  }
0x7d: {  	vm1 =	vgt.u32 v13, $0x3F;
	v22 =	vmax.f32 v6, v18;
	v25 =	vnsel vm3, $0x0, v18  }
0x7e: {  	s31 =	sadd.s32 $0x8, s31;
	v8 =	vadd.f32 v18, v8;
	v6 =	vsel vm3, v6, v22;
	v7 =	vadd.f32 v25, v7  }
0x7f: {  	v18 =	vsel vm0, v20, v19  }
0x80: {  	vm15 =	vgt.u32 v15, $0x3F;
	vm2 =	vgt.u32 v27, $0x3F;
	v19 =	vand.u32 $0xFFFFFFF8, v18  }
0x81: {  	v20 =	vand.u32 $0x7, v18;
	v22 =	vsel vm2, v26, v27;
	v19 =	vadd.s32 v5, v19  }
0x82: {  	vm4 =	vgt.u32 v23, $0x3F;
	v63 =	vand.u32 $0xFFFFFFF8, v22;
	v19 =	vor.u32 v20, v19  }
0x83: {  	v23 =	vsel vm4, v24, v23;
	v25 =	vand.u32 $0x7, v22;
	v20 =	vadd.s32 v5, v63  }
0x84: {  	vm5 =	vgt.u32 v21, $0x3F;
	v24 =	vand.u32 $0xFFFFFFF8, v23;
	v20 =	vor.u32 v25, v20  }
0x85: {  	v17 =	vsel vm5, v17, v21;
	v28 =	vand.u32 $0x7, v23;
	v24 =	vadd.s32 v5, v24  }
0x86: {  	vm6 =	vgt.u32 v14, $0x3F;
	v30 =	vand.u32 $0xFFFFFFF8, v17;
	v29 =	vor.u32 v28, v24  }
0x87: {  	v15 =	vsel vm15, v16, v15;
	v32 =	vand.u32 $0x7, v17;
	v24 =	vadd.s32 v5, v30;
	v31 =	vld.idx.msk [tilespmem:v19+s17+$0x0], $0xffff  }
0x88: {  	vm7 =	vgt.u32 v11, $0x3F;
	v33 =	vand.u32 $0xFFFFFFF8, v15;
	v19 =	vor.u32 v32, v24  }
0x89: {  	v10 =	vsel vm6, v10, v14;
	v35 =	vand.u32 $0x7, v15;
	v24 =	vadd.s32 v5, v33;
	v34 =	vld.idx.msk [tilespmem:v20+s17+$0x0], $0xffff  }
0x8a: {  	v9 =	vsel vm1, v9, v13;
	v37 =	vand.u32 $0xFFFFFFF8, v10;
	v36 =	vor.u32 v35, v24  }
0x8b: {  	v11 =	vsel vm7, v12, v11;
	v39 =	vand.u32 $0x7, v10;
	v38 =	vld.idx.msk [tilespmem:v29+s17+$0x0], $0xffff;
	v20 =	vadd.s32 v5, v37  }
0x8c: {  	v40 =	vand.u32 $0xFFFFFFF8, v11;
	v20 =	vor.u32 v39, v20;
	v16 =	vmul.f32 $1.442695020e+00, v31  }
0x8d: {  	v41 =	vand.u32 $0xFFFFFFF8, v9;
	v42 =	vand.u32 $0x7, v11;
	v24 =	vadd.s32 v5, v40;
	v19 =	vld.idx.msk [tilespmem:v19+s17+$0x0], $0xffff  }
0x8e: {  	v24 =	vor.u32 v42, v24;
	v14 =	vmul.f32 $1.442695020e+00, v34;
	(erf) = vpow2.f32 v16  }
0x8f: {  	v43 =	vand.u32 $0x7, v9;
	v5 =	vadd.s32 v5, v41;
	v13 =	vld.idx.msk [tilespmem:v36+s17+$0x0], $0xffff  }
0x90: {  	v5 =	vor.u32 v43, v5;
	v12 =	vmul.f32 $1.442695020e+00, v38;
	(erf) = vpow2.f32 v14  }
0x91: {  	v44 =	vld.idx.msk [tilespmem:v20+s17+$0x0], $0xffff  }
0x92: {  	(erf) = vpow2.f32 v12;
	v45 =	vmul.f32 $1.442695020e+00, v19  }
0x93: {  	v46 =	vld.idx.msk [tilespmem:v24+s17+$0x0], $0xffff  }
0x94: {  	v13 =	vmul.f32 $1.442695020e+00, v13;
	(erf) = vpow2.f32 v45  }
0x95: {  	v5 =	vld.idx.msk [tilespmem:v5+s17+$0x0], $0xffff  }
0x96: {  	v14 =	vmul.f32 $1.442695020e+00, v44;
	(erf) = vpow2.f32 v13  }
0x97: {  	v47 =	vpop (erf)  }
0x98: {  	v12 =	vmul.f32 $1.442695020e+00, v46;
	(erf) = vpow2.f32 v14;
	v8 =	vadd.f32 v47, v8  }
0x99: {  	v48 =	vpop (erf)  }
0x9a: {  	v5 =	vmul.f32 $1.442695020e+00, v5;
	(erf) = vpow2.f32 v12;
	v8 =	vadd.f32 v48, v8  }
0x9b: {  	v49 =	vpop (erf)  }
0x9c: {  	(erf) = vpow2.f32 v5;
	v5 =	vadd.f32 v49, v8  }
0x9d: {  	v50 =	vpop (erf)  }
0x9e: {  	vm8 =	veq.s32 v4, v18;
	v5 =	vadd.f32 v50, v5  }
0x9f: {  	vm9 =	veq.s32 v4, v22;
	v51 =	vmax.f32 v6, v47;
	v13 =	vnsel vm8, $0x0, v47;
	v52 =	vpop (erf)  }
0xa0: {  	v6 =	vsel vm8, v6, v51;
	v7 =	vadd.f32 v13, v7;
	v5 =	vadd.f32 v52, v5  }
0xa1: {  	vm10 =	veq.s32 v4, v23;
	v14 =	vnsel vm9, $0x0, v48;
	v53 =	vmax.f32 v6, v48;
	v54 =	vpop (erf)  }
0xa2: {  	v6 =	vsel vm9, v6, v53;
	v7 =	vadd.f32 v14, v7;
	v5 =	vadd.f32 v54, v5  }
0xa3: {  	vm11 =	veq.s32 v4, v17;
	v12 =	vnsel vm10, $0x0, v49;
	v13 =	vmax.f32 v6, v49;
	v55 =	vpop (erf)  }
0xa4: {  	v6 =	vsel vm10, v6, v13;
	v7 =	vadd.f32 v12, v7;
	v5 =	vadd.f32 v55, v5  }
0xa5: {  	vm12 =	veq.s32 v4, v15;
	v8 =	vnsel vm11, $0x0, v50;
	v56 =	vmax.f32 v6, v50;
	v57 =	vpop (erf)  }
0xa6: {  	v6 =	vsel vm11, v6, v56;
	v7 =	vadd.f32 v8, v7;
	v5 =	vadd.f32 v57, v5  }
0xa7: {  	vm13 =	veq.s32 v4, v10;
	v59 =	vnsel vm12, $0x0, v52;
	v58 =	vmax.f32 v6, v52  }
0xa8: {  	v7 =	vadd.f32 v59, v7;
	(erf) = vrcp.f32 v5;
	v5 =	vsel vm12, v6, v58  }
0xa9: {  	v60 =	vnsel vm13, $0x0, v54;
	v8 =	vmax.f32 v5, v54  }
0xaa: {  	vm14 =	veq.s32 v4, v11;
	v6 =	vadd.f32 v60, v7;
	v5 =	vsel vm13, v5, v8  }
0xab: {  	v61 =	vnsel vm14, $0x0, v55;
	v8 =	vmax.f32 v5, v55  }
0xac: {  	vm15 =	veq.s32 v4, v9;
	v4 =	vadd.f32 v61, v6;
	v5 =	vsel vm14, v5, v8  }
0xad: {  	v62 =	vnsel vm15, $0x0, v57;
	v63 =	vmax.f32 v5, v57  }
0xae: {  	v4 =	vadd.f32 v62, v4;
	v5 =	vsel vm15, v5, v63;
	_ =	sdelay $0x1  }
0xaf: {  	v4 =	vsub.f32 v5, v4  }
0xb0: {  	v5 =	vpop (erf)  }
0xb1: {  	s1 =	sadd.s32 s4, s30;
	v4 =	vmul.f32 v4, v5  }
0xb2: {  	s29 =	sadd.s32 $0x1, s29;
	p1 =	slt.u32 s1, $0x2710  }
0xb3: {  	v4 =	vpsel !p1, $0x0, v4;
	p1 =	sne.s32 s29, $0x14  }
.Ltmp1:
0xb4: {  	_ = 	snop;
	(pc) =	sbr.rel @p1 .LBB2_2-.Ltmp1, $2  }
0xb5: {  	_ =	sdelay $0x2  }
0xb6: {  	v3 =	vadd.f32 v4, v3  }
0xb7: {  	_ = 	snop  }
0xb8: {  	[tilespmem:$0x5390] =	vst v3  }
0xb9: {  	[spmem:s10] =	stream.linear.scatter [tilespmem:s26], [sflag:$0x2], $0x10, $0x38;
	[tilespmem:$0x53A0] =	vst v63  }
0xba: {  	_ =	swait.ge [sflag:s13], $0x10  }
0xbb: {  	[sflag:s13] =	ssyncset.done $0x0  }
0xbc: {  	[sflag:s13] =	ssyncadd.s32 $0xFFFFFFF0  }
0xbd: {  	[bflag:$0x0] =	sbarrier.arrive $0xFFFF  }
0xbe: {  	s1 =	simm.s32 @!p0 $0x5290;
	s2 =	rddreg [dreg:$0x4]  }
0xbf: {  	[tilespmem:s1], [sflag:$0x2] =	stream.linear.gather @!p0 [spmem:s2], $0x100, $0x38;
	[tilespmem:$0x53A0] =	vst v63  }
0xc0: {  	s1 =	simm.s32 @!p0 $0x2  }
0xc1: {  	_ =	swait.ge @!p0 [sflag:s1], $0x100  }
0xc2: {  	[sflag:s1] =	ssyncset.done @!p0 $0x0  }
0xc3: {  	[sflag:s1] =	ssyncadd.s32 @!p0 $0xFFFFFF00  }
0xc4: {  	v3 =	vld @!p0 [tilespmem:$0x5290]  }
0xc5: {  	v4 =	vld @!p0 [tilespmem:$0x52A0];
	_ =	sdelay $0x1  }
0xc6: {  	v5 =	vld @!p0 [tilespmem:$0x52B0];
	_ =	sdelay $0x1  }
0xc7: {  	v6 =	vld @!p0 [tilespmem:$0x52C0]  }
0xc8: {  	v3 =	vadd.f32 @!p0 v4, v3  }
0xc9: {  	v4 =	vld @!p0 [tilespmem:$0x52D0]  }
0xca: {  	v3 =	vadd.f32 @!p0 v5, v3  }
0xcb: {  	v5 =	vld @!p0 [tilespmem:$0x52E0]  }
0xcc: {  	v3 =	vadd.f32 @!p0 v6, v3  }
0xcd: {  	v6 =	vld @!p0 [tilespmem:$0x52F0]  }
0xce: {  	v3 =	vadd.f32 @!p0 v4, v3  }
0xcf: {  	v4 =	vld @!p0 [tilespmem:$0x5300]  }
0xd0: {  	v3 =	vadd.f32 @!p0 v5, v3  }
0xd1: {  	v5 =	vld @!p0 [tilespmem:$0x5310]  }
0xd2: {  	v3 =	vadd.f32 @!p0 v6, v3  }
0xd3: {  	v6 =	vld @!p0 [tilespmem:$0x5320]  }
0xd4: {  	v3 =	vadd.f32 @!p0 v4, v3  }
0xd5: {  	v4 =	vld @!p0 [tilespmem:$0x5330]  }
0xd6: {  	v3 =	vadd.f32 @!p0 v5, v3  }
0xd7: {  	v5 =	vld @!p0 [tilespmem:$0x5340]  }
0xd8: {  	v3 =	vadd.f32 @!p0 v6, v3  }
0xd9: {  	v6 =	vld @!p0 [tilespmem:$0x5350]  }
0xda: {  	v3 =	vadd.f32 @!p0 v4, v3  }
0xdb: {  	v4 =	vld @!p0 [tilespmem:$0x5360]  }
0xdc: {  	v3 =	vadd.f32 @!p0 v5, v3  }
0xdd: {  	v5 =	vld @!p0 [tilespmem:$0x5370]  }
0xde: {  	v3 =	vadd.f32 @!p0 v6, v3  }
0xdf: {  	v6 =	vld @!p0 [tilespmem:$0x5380]  }
0xe0: {  	v3 =	vadd.f32 @!p0 v4, v3;
	_ =	sdelay $0x1  }
0xe1: {  	v3 =	vadd.f32 @!p0 v5, v3;
	_ =	sdelay $0x1  }
0xe2: {  	v3 =	vadd.f32 @!p0 v6, v3;
	_ =	sdelay $0x1  }
0xe3: {  	(xrf2) =	vadd.scan.msk.f32 @!p0 $0xffff, v3;
	_ =	sdelay $0x9  }
0xe4: {  	v3, _, _ =	vpop @!p0 (xrf2)  }
0xe5: {  	(v2sf) =	vpush @!p0 v3, $0xF;
	_ =	sdelay $0xe  }
0xe6: {  	s2 =	spop @!p0 (v2sf)  }
0xe7: {  	s2 =	smul.f32 @!p0 $9.999999740e-05, s2;
	_ =	sdelay $0x1  }
0xe8: {  	v3 =	vmov @!p0 s2  }
0xe9: {  	v3 =	vadd.f32 @!p0 $0.0e+00, v3;
	_ =	sdelay $0x1  }
0xea: {  	s28 =	sadd.s32 $0x1, s28;
	v3 =	vbroadcast @!p0 v3, $0x0  }
0xeb: {  	p1 =	sne.s32 s28, s12  }
.Ltmp2:
0xec: {  	s18 =	simm.s32 @!p0 $0x5390;
	s2 =	simm.s32 @!p0 $0x0;
	[tilespmem:$0x5390] =	vst @!p0 v3;
	(pc) =	sbr.rel @p1 .LBB2_1-.Ltmp2, $4  }
0xed: {  	[hbm4b:s11+s2] =	stream.linear.scatter @!p0 [tilespmem:s18], [sflag:$0x2], $0x10, $0x38;
	[tilespmem:$0x53A0] =	vst v63  }
0xee: {  	_ =	swait.ge @!p0 [sflag:s1], $0x10  }
0xef: {  	[sflag:s1] =	ssyncset.done @!p0 $0x0  }
0xf0: {  	[sflag:s1] =	ssyncadd.s32 @!p0 $0xFFFFFFF0  }
0xf1: {  	_ =	sfence.sel $0x180000  }
0xf2: {  	[bflag:$0x0] =	sbarrier.arrive $0xFFFF  }
0xf3: {  	_ =	strace $0x90000047  }
0xf4: {  	[bflag:$0x2] =	sbarrier.arrive $0xFFFF  }
0xf5: {  	s0 =	rddreg [dreg:$0x5]  }
0xf6: {  	s0 =	sadd.s32 @!p0 $0x100000, s0  }
0xf7: {  	[sflag:s0] =	ssyncadd.tile.s32 @!p0 $0x1;
	_ =	shalt  }
.Lfunc_end2:
_tile_overlayer_lowered:
.L_overlay_start_2:
0xf8: {  	(tag) =	ssettag $0x2  }
0xf9: {  	s0 =	rddreg [dreg:$0x0];
	s2 =	stileid.u32  }
0xfa: {  	s1 =	rddreg [dreg:$0x1];
	p0 =	sne.s32 s2, $0x0  }
0xfb: {  	s3 =	rddreg [dreg:$0x2];
	[bflag:$0x3] =	sbarrier.arrive $0xFFFF;
	s2 =	simm.s32 @!p0 $0x1C02  }
0xfc: {  	[timem:s3], [sflag:s2] =	dma.local @!p0 [hbm:s0], s1  }
0xfd: {  	s0 =	simm.s32 @!p0 $0x2  }
0xfe: {  	_ =	swait.ge @!p0 [sflag:s0], s1  }
0xff: {  	s1 =	ssub.s32 @!p0 $0x0, s1;
	[sflag:s0] =	ssyncset.done @!p0 $0x0  }
0x100: {  	[sflag:s0] =	ssyncadd.s32 @!p0 s1  }
0x101: {  	[bflag:$0x3] =	sbarrier.arrive $0xFFFF  }
0x102: {  	_ =	shalt  }

</sc_bundles>
